<compile_context>
chip_gen: v7x
topology: tpu7x:2x2x1
jax: 0.10.2.dev20260603
libtpu: 0.0.44.dev20260713+nightly
codegen_flags: <defaults>
</compile_context>

<pallas_src>
import functools

import jax
import jax.numpy as jnp
import numpy as np
from jax import lax
from jax.experimental import pallas as pl
from jax.experimental.pallas import tpu as pltpu
from jax.experimental.pallas import tpu_sc as plsc

NUM_REQS = 16
MAX_SPEC = 8
VOCAB = 32000
NUM_DRAFT = np.array([5, 6, 7, 8] * 4, dtype=np.int32)
CU = np.cumsum(NUM_DRAFT)
TOTAL = int(CU[-1])
NUM_ROWS = TOTAL + NUM_REQS
GAMMA = 0.6
EPS = 1e-10
T = 20
ALPHA = 2.0
BETA = 1.5
PLAMBDA = 2.0
ETA = 10.0
PLACEHOLDER = -1

ROWS_A = 8
N_TGT_BLK = TOTAL // ROWS_A
N_BLK_A = NUM_ROWS // ROWS_A
SC_L = 16


def _fuse_coeffs():
    a, b, u, v = 1.0, 0.0, 0.0, 0.0
    for t in range(1, T + 1):
        u = u + ALPHA * (a - 1.0)
        v = v + ALPHA * b + BETA
        denom = t * PLAMBDA + 1.0 / ETA
        a, b = (t * PLAMBDA + u + a / ETA) / denom, (v + b / ETA) / denom
    return a, b


FUSE_A, FUSE_B = _fuse_coeffs()


def _stats_kernel(tok_ref, x_ref, b_ref, s_ref, out_ref):
    i = pl.program_id(0)
    x = x_ref[...]

    @pl.when(i < N_TGT_BLK)
    def _draft():
        b = b_ref[...]
        s = s_ref[...]
        xsum = jnp.sum(jnp.exp(x), axis=-1, keepdims=True)
        bsum = jnp.sum(jnp.exp(b), axis=-1, keepdims=True)
        lane128 = lax.broadcasted_iota(jnp.int32, (1, 128), 1)

        def _pick(ref, r):
            tok = tok_ref[ROWS_A * i + r]
            base = pl.multiple_of((tok // 128) * 128, 128)
            w = ref[pl.ds(r, 1), pl.ds(base, 128)]
            return jnp.sum(jnp.where(lane128 == tok % 128, w, 0.0),
                           axis=-1, keepdims=True)

        xv = jnp.concatenate([_pick(x_ref, r) for r in range(ROWS_A)], axis=0)
        bv = jnp.concatenate([_pick(b_ref, r) for r in range(ROWS_A)], axis=0)
        tp = jnp.exp(xv) / xsum
        bp = jnp.exp(bv) / bsum
        out_ref[:, 0:1] = (tp > GAMMA * (bp + EPS)).astype(jnp.int32)
        combo = x + jnp.float32(FUSE_B) * (s - b)
        out_ref[:, 1:2] = jnp.argmax(combo, axis=-1).astype(jnp.int32)[:, None]

    @pl.when(i >= N_TGT_BLK)
    def _bonus():
        out_ref[:, 0:1] = jnp.zeros((ROWS_A, 1), jnp.int32)
        out_ref[:, 1:2] = jnp.argmax(x, axis=-1).astype(jnp.int32)[:, None]


def _select_kernel(flags_hbm, tok_hbm, out_hbm, cnt_hbm,
                   flags_v, tok_v, out_v, cnt_v, sem):
    cid = lax.axis_index("c")
    sid = lax.axis_index("s")

    @pl.when(jnp.logical_and(cid == 0, sid == 0))
    def _():
        cp1 = pltpu.async_copy(flags_hbm, flags_v, sem)
        cp2 = pltpu.async_copy(tok_hbm, tok_v, sem)
        cp1.wait()
        cp2.wait()

        lanes = lax.iota(jnp.int32, SC_L)
        zero = jnp.zeros((SC_L,), jnp.int32)
        lvec = (lanes & 3) + 5
        starts = lax.cumsum(lvec, axis=0) - lvec

        rej = lvec
        for s in range(MAX_SPEC - 1, -1, -1):
            pos = jnp.minimum(starts + s, TOTAL - 1)
            a = plsc.load_gather(flags_v, [pos, zero])
            is_rej = jnp.logical_and(a == 0, s < lvec)
            rej = jnp.where(is_rej, jnp.int32(s), rej)

        idx = jnp.minimum(starts + rej, TOTAL - 1)
        fused = plsc.load_gather(flags_v, [idx, zero + 1])
        bonus = plsc.load_gather(flags_v, [TOTAL + lanes, zero + 1])
        rep = jnp.where(rej == lvec, bonus, fused)
        cnt_v[...] = rej

        for s in range(MAX_SPEC + 1):
            tok_s = plsc.load_gather(tok_v, [jnp.minimum(starts + s, TOTAL - 1)])
            val = jnp.where(s < rej, tok_s, jnp.int32(PLACEHOLDER))
            val = jnp.where(s == rej, rep, val)
            plsc.store_scatter(out_v, [lanes, jnp.full((SC_L,), s, jnp.int32)], val)

        cp3 = pltpu.async_copy(out_v, out_hbm, sem)
        cp4 = pltpu.async_copy(cnt_v, cnt_hbm, sem)
        cp3.wait()
        cp4.wait()


def kernel(logits, base_logits, steer_logits, draft_token_ids,
           target_logits_indices, bonus_logits_indices):
    del target_logits_indices, bonus_logits_indices

    clamp13 = lambda i, tok: (jnp.minimum(i, N_TGT_BLK - 1), 0)
    flags = pl.pallas_call(
        _stats_kernel,
        grid_spec=pltpu.PrefetchScalarGridSpec(
            num_scalar_prefetch=1,
            grid=(N_BLK_A,),
            in_specs=[
                pl.BlockSpec((ROWS_A, VOCAB), lambda i, tok: (i, 0)),
                pl.BlockSpec((ROWS_A, VOCAB), clamp13),
                pl.BlockSpec((ROWS_A, VOCAB), clamp13),
            ],
            out_specs=pl.BlockSpec((ROWS_A, 2), lambda i, tok: (i, 0)),
        ),
        out_shape=jax.ShapeDtypeStruct((NUM_ROWS, 2), jnp.int32),
    )(draft_token_ids, logits, base_logits, steer_logits)

    sc_fn = functools.partial(
        pl.kernel,
        out_type=[
            jax.ShapeDtypeStruct((NUM_REQS, MAX_SPEC + 1), jnp.int32),
            jax.ShapeDtypeStruct((NUM_REQS,), jnp.int32),
        ],
        mesh=plsc.VectorSubcoreMesh(core_axis_name="c", subcore_axis_name="s"),
        compiler_params=pltpu.CompilerParams(needs_layout_passes=False),
        scratch_types=[
            pltpu.VMEM((NUM_ROWS, 2), jnp.int32),
            pltpu.VMEM((TOTAL,), jnp.int32),
            pltpu.VMEM((NUM_REQS, MAX_SPEC + 1), jnp.int32),
            pltpu.VMEM((NUM_REQS,), jnp.int32),
            pltpu.SemaphoreType.DMA,
        ],
    )(_select_kernel)

    out, counts = sc_fn(flags, draft_token_ids)
    return (out, counts)

# --- scband reference (transcript-rebuilt; emitter-appended) ---
"""Pipeline reference for scband-spec-steer-sampler-69724499084028 (READ-ONLY COPY).

The authoritative reference and input builder live on the scoring server;
editing this copy changes nothing except your own understanding.
"""

import jax, jax.numpy as jnp
import numpy as np

NUM_REQS = 16
MAX_SPEC = 8
VOCAB = 32000
NUM_DRAFT = np.array([5, 6, 7, 8] * 4, dtype=np.int32)
CU = np.cumsum(NUM_DRAFT)
TOTAL = int(CU[-1])
GAMMA = 0.6
EPS = 1e-10
T = 20
ALPHA = 2.0
BETA = 1.5
PLAMBDA = 2.0
ETA = 10.0
ENABLE_BONUS = True
PLACEHOLDER = -1


def _fuse(llm, base, steer):
    llm_log = jax.nn.log_softmax(jnp.nan_to_num(llm, nan=-100.0), axis=-1)
    base_log = jax.nn.log_softmax(jnp.nan_to_num(base, nan=-100.0), axis=-1)
    steer_log = jax.nn.log_softmax(jnp.nan_to_num(steer, nan=-100.0), axis=-1)
    delta = steer_log - base_log
    delta = jnp.where(jnp.isnan(delta), 0.0, delta)
    q_sum = jnp.zeros_like(llm_log)
    log_player = llm_log
    prev = llm_log
    for t in range(1, T + 1):
        q_sum = q_sum + ALPHA * (log_player - llm_log) + BETA * delta
        denom = t * PLAMBDA + 1.0 / ETA
        log_player = (t * PLAMBDA * llm_log + q_sum + prev / ETA) / denom
        log_player = jax.nn.log_softmax(log_player, axis=-1)
        prev = log_player
    return log_player


def setup_inputs(seed: int = 0):
    key = jax.random.key(seed)
    k1, k2, k3, k4 = jax.random.split(key, 4)
    logits = jax.random.normal(k1, (TOTAL + NUM_REQS, VOCAB), dtype=jnp.float32)
    base_logits = jax.random.normal(k2, (TOTAL, VOCAB), dtype=jnp.float32)
    steer_logits = jax.random.normal(k3, (TOTAL, VOCAB), dtype=jnp.float32)
    draft_token_ids = jax.random.randint(k4, (TOTAL,), 0, VOCAB, dtype=jnp.int32)
    target_logits_indices = jnp.arange(TOTAL, dtype=jnp.int32)
    bonus_logits_indices = TOTAL + jnp.arange(NUM_REQS, dtype=jnp.int32)
    return {"logits": logits, "base_logits": base_logits, "steer_logits": steer_logits, "draft_token_ids": draft_token_ids, "target_logits_indices": target_logits_indices, "bonus_logits_indices": bonus_logits_indices}


def reference(logits, base_logits, steer_logits, draft_token_ids, target_logits_indices, bonus_logits_indices):
    target_logits = jnp.take(logits, target_logits_indices, axis=0).astype(jnp.float32)
    bonus_logits = jnp.take(logits, bonus_logits_indices, axis=0)
    # greedy sampler on bonus logits (sampler(..., predict_bonus_token=True) with all_greedy)
    bonus_token_ids = jnp.argmax(bonus_logits, axis=-1).astype(jnp.int32)
    target_probs = jax.nn.softmax(target_logits, axis=-1)
    base_probs = jax.nn.softmax(base_logits.astype(jnp.float32), axis=-1)
    base_f32 = base_logits.astype(jnp.float32)
    steer_f32 = steer_logits.astype(jnp.float32)
    i_arr = jnp.arange(MAX_SPEC + 1, dtype=jnp.int32)
    rows = []
    counts = []
    for req in range(NUM_REQS):
        start = 0 if req == 0 else int(CU[req - 1])
        L = int(NUM_DRAFT[req])
        pos = jnp.arange(start, start + L, dtype=jnp.int32)
        tok = jax.lax.dynamic_slice(draft_token_ids, (start,), (L,))
        tp_vals = target_probs[pos, tok]
        bp_vals = base_probs[pos, tok]
        accept = tp_vals > GAMMA * (bp_vals + EPS)
        not_acc = jnp.logical_not(accept)
        any_rej = jnp.any(not_acc)
        reject = jnp.where(any_rej, jnp.argmax(not_acc).astype(jnp.int32), jnp.int32(L))
        all_acc = jnp.logical_not(any_rej)
        idx = start + reject
        tl = jax.lax.dynamic_slice(target_logits, (idx, 0), (1, VOCAB))
        bl = jax.lax.dynamic_slice(base_f32, (idx, 0), (1, VOCAB))
        sl = jax.lax.dynamic_slice(steer_f32, (idx, 0), (1, VOCAB))
        fused = _fuse(tl, bl, sl)
        fused_tok = jnp.argmax(fused, axis=-1)[0].astype(jnp.int32)
        tok_full = jnp.concatenate([tok, jnp.zeros((MAX_SPEC + 1 - L,), dtype=jnp.int32)])
        row = jnp.where(i_arr < reject, tok_full, jnp.int32(PLACEHOLDER))
        if ENABLE_BONUS:
            rep_tok = jnp.where(all_acc, bonus_token_ids[req], fused_tok)
        else:
            rep_tok = jnp.where(all_acc, jnp.int32(PLACEHOLDER), fused_tok)
        row = jnp.where(i_arr == reject, rep_tok, row)
        rows.append(row)
        counts.append(reject)
    out = jnp.stack(rows).astype(jnp.int32)
    counts_arr = jnp.stack(counts).astype(jnp.int32)
    return (out, counts_arr)

if __name__ == "__main__":
    import jax
    _d = setup_inputs()
    print(jax.jit(kernel)(*tuple(_d.values())))

</pallas_src>

<mosaic_0001>
#map = affine_map<(d0, d1) -> (0, 0)>
#map1 = affine_map<(d0, d1) -> (0)>
module attributes {stable_mosaic.version = 14 : i64} {
  func.func @_select_kernel(%arg0: i32, %arg1: i32, %arg2: memref<120x2xi32, #tpu.memory_space<hbm>>, %arg3: memref<104xi32, #tpu.memory_space<hbm>>, %arg4: memref<16x9xi32, #tpu.memory_space<hbm>>, %arg5: memref<16xi32, #tpu.memory_space<hbm>>, %arg6: memref<120x2xi32, #tpu.memory_space<vmem>>, %arg7: memref<104xi32, #tpu.memory_space<vmem>>, %arg8: memref<16x9xi32, #tpu.memory_space<vmem>>, %arg9: memref<16xi32, #tpu.memory_space<vmem>>, %arg10: memref<!tpu.dma_semaphore, #tpu.memory_space<semaphore_mem>>) attributes {dimension_semantics = [#tpu.dimension_semantics<core_parallel>, #tpu.dimension_semantics<subcore_parallel>], iteration_bounds = array<i64: 2, 16>, scalar_prefetch = 0 : i64, scratch_operands = 5 : i64, tpu.core_type = #tpu.core_type<sc_vector_subcore>, window_params = [{transform_indices = #map}, {transform_indices = #map1}, {transform_indices = #map}, {transform_indices = #map1}]} {
    %eq3A = arith.constant 0 : i32
    %eq3A_0 = arith.cmpi eq, %arg0, %eq3A : i32
    %eq3A_1 = arith.constant 0 : i32
    %eq3A_2 = arith.cmpi eq, %arg1, %eq3A_1 : i32
    %and3A = arith.andi %eq3A_0, %eq3A_2 : i1
    %convert_element_type3A = arith.extui %and3A : i1 to i32
    %cond3A = arith.constant 0 : i32
    %cond3A_3 = arith.cmpi ne, %convert_element_type3A, %cond3A : i32
    scf.if %cond3A_3 {
      tpu.enqueue_dma source(%arg2 : memref<120x2xi32, #tpu.memory_space<hbm>>) target(%arg6 : memref<120x2xi32, #tpu.memory_space<vmem>>) target_semaphore(%arg10 : memref<!tpu.dma_semaphore, #tpu.memory_space<semaphore_mem>>)
      tpu.enqueue_dma source(%arg3 : memref<104xi32, #tpu.memory_space<hbm>>) target(%arg7 : memref<104xi32, #tpu.memory_space<vmem>>) target_semaphore(%arg10 : memref<!tpu.dma_semaphore, #tpu.memory_space<semaphore_mem>>)
      tpu.wait_dma2 semaphore(%arg10 : memref<!tpu.dma_semaphore, #tpu.memory_space<semaphore_mem>>) src(%arg2 : memref<120x2xi32, #tpu.memory_space<hbm>>) dst(%arg6 : memref<120x2xi32, #tpu.memory_space<vmem>>)
      tpu.wait_dma2 semaphore(%arg10 : memref<!tpu.dma_semaphore, #tpu.memory_space<semaphore_mem>>) src(%arg3 : memref<104xi32, #tpu.memory_space<hbm>>) dst(%arg7 : memref<104xi32, #tpu.memory_space<vmem>>)
      %iota3A = tpu.iota {dimensions = array<i32: 0>} : vector<16xi32>
      %broadcast_in_dim3A = arith.constant 0 : i32
      %broadcast_in_dim3A_4 = vector.broadcast %broadcast_in_dim3A : i32 to vector<16xi32>
      %and3A_5 = arith.constant 3 : i32
      %and3A_6 = vector.broadcast %and3A_5 : i32 to vector<16xi32>
      %and3A_7 = arith.andi %iota3A, %and3A_6 : vector<16xi32>
      %add3A = arith.constant 5 : i32
      %add3A_8 = vector.broadcast %add3A : i32 to vector<16xi32>
      %add3A_9 = arith.addi %and3A_7, %add3A_8 : vector<16xi32>
      %cumsum3A = arith.constant true
      %cumsum3A_10 = vector.broadcast %cumsum3A : i1 to vector<16xi1>
      %cumsum3A_11 = tpu.scan <sum>, %add3A_9 masked %cumsum3A_10 : vector<16xi32>, vector<16xi1> -> vector<16xi32>
      %sub3A = arith.subi %cumsum3A_11, %add3A_9 : vector<16xi32>
      %add3A_12 = arith.constant 7 : i32
      %add3A_13 = vector.broadcast %add3A_12 : i32 to vector<16xi32>
      %add3A_14 = arith.addi %sub3A, %add3A_13 : vector<16xi32>
      %min3A = arith.constant 103 : i32
      %min3A_15 = vector.broadcast %min3A : i32 to vector<16xi32>
      %min3A_16 = arith.minsi %add3A_14, %min3A_15 : vector<16xi32>
      %gather3A = tpu.vector_load_idx %arg6[%min3A_16, %broadcast_in_dim3A_4] : memref<120x2xi32, #tpu.memory_space<vmem>>[vector<16xi32>, vector<16xi32>], vector<16xi32>,
      %eq3A_17 = arith.constant 0 : i32
      %eq3A_18 = vector.broadcast %eq3A_17 : i32 to vector<16xi32>
      %eq3A_19 = arith.cmpi eq, %gather3A, %eq3A_18 : vector<16xi32>
      %gt3A = arith.constant 7 : i32
      %gt3A_20 = vector.broadcast %gt3A : i32 to vector<16xi32>
      %gt3A_21 = arith.cmpi sgt, %add3A_9, %gt3A_20 : vector<16xi32>
      %and3A_22 = arith.andi %eq3A_19, %gt3A_21 : vector<16xi1>
      %jit3A = arith.constant 7 : i32
      %broadcast_in_dim3A_23 = vector.broadcast %jit3A : i32 to vector<16xi32>
      %select_n3A = arith.select %and3A_22, %broadcast_in_dim3A_23, %add3A_9 : vector<16xi1>, vector<16xi32>
      %add3A_24 = arith.constant 6 : i32
      %add3A_25 = vector.broadcast %add3A_24 : i32 to vector<16xi32>
      %add3A_26 = arith.addi %sub3A, %add3A_25 : vector<16xi32>
      %min3A_27 = arith.constant 103 : i32
      %min3A_28 = vector.broadcast %min3A_27 : i32 to vector<16xi32>
      %min3A_29 = arith.minsi %add3A_26, %min3A_28 : vector<16xi32>
      %gather3A_30 = tpu.vector_load_idx %arg6[%min3A_29, %broadcast_in_dim3A_4] : memref<120x2xi32, #tpu.memory_space<vmem>>[vector<16xi32>, vector<16xi32>], vector<16xi32>,
      %eq3A_31 = arith.constant 0 : i32
      %eq3A_32 = vector.broadcast %eq3A_31 : i32 to vector<16xi32>
      %eq3A_33 = arith.cmpi eq, %gather3A_30, %eq3A_32 : vector<16xi32>
      %gt3A_34 = arith.constant 6 : i32
      %gt3A_35 = vector.broadcast %gt3A_34 : i32 to vector<16xi32>
      %gt3A_36 = arith.cmpi sgt, %add3A_9, %gt3A_35 : vector<16xi32>
      %and3A_37 = arith.andi %eq3A_33, %gt3A_36 : vector<16xi1>
      %jit3A_38 = arith.constant 6 : i32
      %broadcast_in_dim3A_39 = vector.broadcast %jit3A_38 : i32 to vector<16xi32>
      %select_n3A_40 = arith.select %and3A_37, %broadcast_in_dim3A_39, %select_n3A : vector<16xi1>, vector<16xi32>
      %add3A_41 = arith.constant 5 : i32
      %add3A_42 = vector.broadcast %add3A_41 : i32 to vector<16xi32>
      %add3A_43 = arith.addi %sub3A, %add3A_42 : vector<16xi32>
      %min3A_44 = arith.constant 103 : i32
      %min3A_45 = vector.broadcast %min3A_44 : i32 to vector<16xi32>
      %min3A_46 = arith.minsi %add3A_43, %min3A_45 : vector<16xi32>
      %gather3A_47 = tpu.vector_load_idx %arg6[%min3A_46, %broadcast_in_dim3A_4] : memref<120x2xi32, #tpu.memory_space<vmem>>[vector<16xi32>, vector<16xi32>], vector<16xi32>,
      %eq3A_48 = arith.constant 0 : i32
      %eq3A_49 = vector.broadcast %eq3A_48 : i32 to vector<16xi32>
      %eq3A_50 = arith.cmpi eq, %gather3A_47, %eq3A_49 : vector<16xi32>
      %gt3A_51 = arith.constant 5 : i32
      %gt3A_52 = vector.broadcast %gt3A_51 : i32 to vector<16xi32>
      %gt3A_53 = arith.cmpi sgt, %add3A_9, %gt3A_52 : vector<16xi32>
      %and3A_54 = arith.andi %eq3A_50, %gt3A_53 : vector<16xi1>
      %jit3A_55 = arith.constant 5 : i32
      %broadcast_in_dim3A_56 = vector.broadcast %jit3A_55 : i32 to vector<16xi32>
      %select_n3A_57 = arith.select %and3A_54, %broadcast_in_dim3A_56, %select_n3A_40 : vector<16xi1>, vector<16xi32>
      %add3A_58 = arith.constant 4 : i32
      %add3A_59 = vector.broadcast %add3A_58 : i32 to vector<16xi32>
      %add3A_60 = arith.addi %sub3A, %add3A_59 : vector<16xi32>
      %min3A_61 = arith.constant 103 : i32
      %min3A_62 = vector.broadcast %min3A_61 : i32 to vector<16xi32>
      %min3A_63 = arith.minsi %add3A_60, %min3A_62 : vector<16xi32>
      %gather3A_64 = tpu.vector_load_idx %arg6[%min3A_63, %broadcast_in_dim3A_4] : memref<120x2xi32, #tpu.memory_space<vmem>>[vector<16xi32>, vector<16xi32>], vector<16xi32>,
      %eq3A_65 = arith.constant 0 : i32
      %eq3A_66 = vector.broadcast %eq3A_65 : i32 to vector<16xi32>
      %eq3A_67 = arith.cmpi eq, %gather3A_64, %eq3A_66 : vector<16xi32>
      %gt3A_68 = arith.constant 4 : i32
      %gt3A_69 = vector.broadcast %gt3A_68 : i32 to vector<16xi32>
      %gt3A_70 = arith.cmpi sgt, %add3A_9, %gt3A_69 : vector<16xi32>
      %and3A_71 = arith.andi %eq3A_67, %gt3A_70 : vector<16xi1>
      %jit3A_72 = arith.constant 4 : i32
      %broadcast_in_dim3A_73 = vector.broadcast %jit3A_72 : i32 to vector<16xi32>
      %select_n3A_74 = arith.select %and3A_71, %broadcast_in_dim3A_73, %select_n3A_57 : vector<16xi1>, vector<16xi32>
      %add3A_75 = arith.constant 3 : i32
      %add3A_76 = vector.broadcast %add3A_75 : i32 to vector<16xi32>
      %add3A_77 = arith.addi %sub3A, %add3A_76 : vector<16xi32>
      %min3A_78 = arith.constant 103 : i32
      %min3A_79 = vector.broadcast %min3A_78 : i32 to vector<16xi32>
      %min3A_80 = arith.minsi %add3A_77, %min3A_79 : vector<16xi32>
      %gather3A_81 = tpu.vector_load_idx %arg6[%min3A_80, %broadcast_in_dim3A_4] : memref<120x2xi32, #tpu.memory_space<vmem>>[vector<16xi32>, vector<16xi32>], vector<16xi32>,
      %eq3A_82 = arith.constant 0 : i32
      %eq3A_83 = vector.broadcast %eq3A_82 : i32 to vector<16xi32>
      %eq3A_84 = arith.cmpi eq, %gather3A_81, %eq3A_83 : vector<16xi32>
      %gt3A_85 = arith.constant 3 : i32
      %gt3A_86 = vector.broadcast %gt3A_85 : i32 to vector<16xi32>
      %gt3A_87 = arith.cmpi sgt, %add3A_9, %gt3A_86 : vector<16xi32>
      %and3A_88 = arith.andi %eq3A_84, %gt3A_87 : vector<16xi1>
      %jit3A_89 = arith.constant 3 : i32
      %broadcast_in_dim3A_90 = vector.broadcast %jit3A_89 : i32 to vector<16xi32>
      %select_n3A_91 = arith.select %and3A_88, %broadcast_in_dim3A_90, %select_n3A_74 : vector<16xi1>, vector<16xi32>
      %add3A_92 = arith.constant 2 : i32
      %add3A_93 = vector.broadcast %add3A_92 : i32 to vector<16xi32>
      %add3A_94 = arith.addi %sub3A, %add3A_93 : vector<16xi32>
      %min3A_95 = arith.constant 103 : i32
      %min3A_96 = vector.broadcast %min3A_95 : i32 to vector<16xi32>
      %min3A_97 = arith.minsi %add3A_94, %min3A_96 : vector<16xi32>
      %gather3A_98 = tpu.vector_load_idx %arg6[%min3A_97, %broadcast_in_dim3A_4] : memref<120x2xi32, #tpu.memory_space<vmem>>[vector<16xi32>, vector<16xi32>], vector<16xi32>,
      %eq3A_99 = arith.constant 0 : i32
      %eq3A_100 = vector.broadcast %eq3A_99 : i32 to vector<16xi32>
      %eq3A_101 = arith.cmpi eq, %gather3A_98, %eq3A_100 : vector<16xi32>
      %gt3A_102 = arith.constant 2 : i32
      %gt3A_103 = vector.broadcast %gt3A_102 : i32 to vector<16xi32>
      %gt3A_104 = arith.cmpi sgt, %add3A_9, %gt3A_103 : vector<16xi32>
      %and3A_105 = arith.andi %eq3A_101, %gt3A_104 : vector<16xi1>
      %jit3A_106 = arith.constant 2 : i32
      %broadcast_in_dim3A_107 = vector.broadcast %jit3A_106 : i32 to vector<16xi32>
      %select_n3A_108 = arith.select %and3A_105, %broadcast_in_dim3A_107, %select_n3A_91 : vector<16xi1>, vector<16xi32>
      %add3A_109 = arith.constant 1 : i32
      %add3A_110 = vector.broadcast %add3A_109 : i32 to vector<16xi32>
      %add3A_111 = arith.addi %sub3A, %add3A_110 : vector<16xi32>
      %min3A_112 = arith.constant 103 : i32
      %min3A_113 = vector.broadcast %min3A_112 : i32 to vector<16xi32>
      %min3A_114 = arith.minsi %add3A_111, %min3A_113 : vector<16xi32>
      %gather3A_115 = tpu.vector_load_idx %arg6[%min3A_114, %broadcast_in_dim3A_4] : memref<120x2xi32, #tpu.memory_space<vmem>>[vector<16xi32>, vector<16xi32>], vector<16xi32>,
      %eq3A_116 = arith.constant 0 : i32
      %eq3A_117 = vector.broadcast %eq3A_116 : i32 to vector<16xi32>
      %eq3A_118 = arith.cmpi eq, %gather3A_115, %eq3A_117 : vector<16xi32>
      %gt3A_119 = arith.constant 1 : i32
      %gt3A_120 = vector.broadcast %gt3A_119 : i32 to vector<16xi32>
      %gt3A_121 = arith.cmpi sgt, %add3A_9, %gt3A_120 : vector<16xi32>
      %and3A_122 = arith.andi %eq3A_118, %gt3A_121 : vector<16xi1>
      %jit3A_123 = arith.constant 1 : i32
      %broadcast_in_dim3A_124 = vector.broadcast %jit3A_123 : i32 to vector<16xi32>
      %select_n3A_125 = arith.select %and3A_122, %broadcast_in_dim3A_124, %select_n3A_108 : vector<16xi1>, vector<16xi32>
      %add3A_126 = arith.constant 0 : i32
      %add3A_127 = vector.broadcast %add3A_126 : i32 to vector<16xi32>
      %add3A_128 = arith.addi %sub3A, %add3A_127 : vector<16xi32>
      %min3A_129 = arith.constant 103 : i32
      %min3A_130 = vector.broadcast %min3A_129 : i32 to vector<16xi32>
      %min3A_131 = arith.minsi %add3A_128, %min3A_130 : vector<16xi32>
      %gather3A_132 = tpu.vector_load_idx %arg6[%min3A_131, %broadcast_in_dim3A_4] : memref<120x2xi32, #tpu.memory_space<vmem>>[vector<16xi32>, vector<16xi32>], vector<16xi32>,
      %eq3A_133 = arith.constant 0 : i32
      %eq3A_134 = vector.broadcast %eq3A_133 : i32 to vector<16xi32>
      %eq3A_135 = arith.cmpi eq, %gather3A_132, %eq3A_134 : vector<16xi32>
      %gt3A_136 = arith.constant 0 : i32
      %gt3A_137 = vector.broadcast %gt3A_136 : i32 to vector<16xi32>
      %gt3A_138 = arith.cmpi sgt, %add3A_9, %gt3A_137 : vector<16xi32>
      %and3A_139 = arith.andi %eq3A_135, %gt3A_138 : vector<16xi1>
      %jit3A_140 = arith.constant 0 : i32
      %broadcast_in_dim3A_141 = vector.broadcast %jit3A_140 : i32 to vector<16xi32>
      %select_n3A_142 = arith.select %and3A_139, %broadcast_in_dim3A_141, %select_n3A_125 : vector<16xi1>, vector<16xi32>
      %add3A_143 = arith.addi %sub3A, %select_n3A_142 : vector<16xi32>
      %min3A_144 = arith.constant 103 : i32
      %min3A_145 = vector.broadcast %min3A_144 : i32 to vector<16xi32>
      %min3A_146 = arith.minsi %add3A_143, %min3A_145 : vector<16xi32>
      %add3A_147 = arith.constant 1 : i32
      %add3A_148 = vector.broadcast %add3A_147 : i32 to vector<16xi32>
      %add3A_149 = arith.addi %broadcast_in_dim3A_4, %add3A_148 : vector<16xi32>
      %gather3A_150 = tpu.vector_load_idx %arg6[%min3A_146, %add3A_149] : memref<120x2xi32, #tpu.memory_space<vmem>>[vector<16xi32>, vector<16xi32>], vector<16xi32>,
      %add3A_151 = arith.constant 104 : i32
      %add3A_152 = vector.broadcast %add3A_151 : i32 to vector<16xi32>
      %add3A_153 = arith.addi %add3A_152, %iota3A : vector<16xi32>
      %add3A_154 = arith.constant 1 : i32
      %add3A_155 = vector.broadcast %add3A_154 : i32 to vector<16xi32>
      %add3A_156 = arith.addi %broadcast_in_dim3A_4, %add3A_155 : vector<16xi32>
      %gather3A_157 = tpu.vector_load_idx %arg6[%add3A_153, %add3A_156] : memref<120x2xi32, #tpu.memory_space<vmem>>[vector<16xi32>, vector<16xi32>], vector<16xi32>,
      %eq3A_158 = arith.cmpi eq, %select_n3A_142, %add3A_9 : vector<16xi32>
      %select_n3A_159 = arith.select %eq3A_158, %gather3A_157, %gather3A_150 : vector<16xi1>, vector<16xi32>
      %swap3A = arith.constant 0 : index
      %swap3A_160 = tpu.vector_load %arg9[%swap3A] {strides = array<i32>} : memref<16xi32, #tpu.memory_space<vmem>>, vector<16xi32>,
      tpu.vector_store %arg9[%swap3A], %select_n3A_142 {strides = array<i32>} : memref<16xi32, #tpu.memory_space<vmem>>, vector<16xi32>,
      %add3A_161 = arith.constant 0 : i32
      %add3A_162 = vector.broadcast %add3A_161 : i32 to vector<16xi32>
      %add3A_163 = arith.addi %sub3A, %add3A_162 : vector<16xi32>
      %min3A_164 = arith.constant 103 : i32
      %min3A_165 = vector.broadcast %min3A_164 : i32 to vector<16xi32>
      %min3A_166 = arith.minsi %add3A_163, %min3A_165 : vector<16xi32>
      %gather3A_167 = tpu.vector_load_idx %arg7[%min3A_166] : memref<104xi32, #tpu.memory_space<vmem>>[vector<16xi32>], vector<16xi32>,
      %gt3A_168 = arith.constant 0 : i32
      %gt3A_169 = vector.broadcast %gt3A_168 : i32 to vector<16xi32>
      %gt3A_170 = arith.cmpi sgt, %select_n3A_142, %gt3A_169 : vector<16xi32>
      %jit3A_171 = arith.constant -1 : i32
      %broadcast_in_dim3A_172 = vector.broadcast %jit3A_171 : i32 to vector<16xi32>
      %select_n3A_173 = arith.select %gt3A_170, %gather3A_167, %broadcast_in_dim3A_172 : vector<16xi1>, vector<16xi32>
      %eq3A_174 = arith.constant 0 : i32
      %eq3A_175 = vector.broadcast %eq3A_174 : i32 to vector<16xi32>
      %eq3A_176 = arith.cmpi eq, %select_n3A_142, %eq3A_175 : vector<16xi32>
      %select_n3A_177 = arith.select %eq3A_176, %select_n3A_159, %select_n3A_173 : vector<16xi1>, vector<16xi32>
      %broadcast_in_dim3A_178 = arith.constant 0 : i32
      %broadcast_in_dim3A_179 = vector.broadcast %broadcast_in_dim3A_178 : i32 to vector<16xi32>
      tpu.vector_store_idx %arg8[%iota3A, %broadcast_in_dim3A_179], %select_n3A_177 : memref<16x9xi32, #tpu.memory_space<vmem>>[vector<16xi32>, vector<16xi32>], vector<16xi32>,
      %add3A_180 = arith.constant 1 : i32
      %add3A_181 = vector.broadcast %add3A_180 : i32 to vector<16xi32>
      %add3A_182 = arith.addi %sub3A, %add3A_181 : vector<16xi32>
      %min3A_183 = arith.constant 103 : i32
      %min3A_184 = vector.broadcast %min3A_183 : i32 to vector<16xi32>
      %min3A_185 = arith.minsi %add3A_182, %min3A_184 : vector<16xi32>
      %gather3A_186 = tpu.vector_load_idx %arg7[%min3A_185] : memref<104xi32, #tpu.memory_space<vmem>>[vector<16xi32>], vector<16xi32>,
      %gt3A_187 = arith.constant 1 : i32
      %gt3A_188 = vector.broadcast %gt3A_187 : i32 to vector<16xi32>
      %gt3A_189 = arith.cmpi sgt, %select_n3A_142, %gt3A_188 : vector<16xi32>
      %jit3A_190 = arith.constant -1 : i32
      %broadcast_in_dim3A_191 = vector.broadcast %jit3A_190 : i32 to vector<16xi32>
      %select_n3A_192 = arith.select %gt3A_189, %gather3A_186, %broadcast_in_dim3A_191 : vector<16xi1>, vector<16xi32>
      %eq3A_193 = arith.constant 1 : i32
      %eq3A_194 = vector.broadcast %eq3A_193 : i32 to vector<16xi32>
      %eq3A_195 = arith.cmpi eq, %select_n3A_142, %eq3A_194 : vector<16xi32>
      %select_n3A_196 = arith.select %eq3A_195, %select_n3A_159, %select_n3A_192 : vector<16xi1>, vector<16xi32>
      %broadcast_in_dim3A_197 = arith.constant 1 : i32
      %broadcast_in_dim3A_198 = vector.broadcast %broadcast_in_dim3A_197 : i32 to vector<16xi32>
      tpu.vector_store_idx %arg8[%iota3A, %broadcast_in_dim3A_198], %select_n3A_196 : memref<16x9xi32, #tpu.memory_space<vmem>>[vector<16xi32>, vector<16xi32>], vector<16xi32>,
      %add3A_199 = arith.constant 2 : i32
      %add3A_200 = vector.broadcast %add3A_199 : i32 to vector<16xi32>
      %add3A_201 = arith.addi %sub3A, %add3A_200 : vector<16xi32>
      %min3A_202 = arith.constant 103 : i32
      %min3A_203 = vector.broadcast %min3A_202 : i32 to vector<16xi32>
      %min3A_204 = arith.minsi %add3A_201, %min3A_203 : vector<16xi32>
      %gather3A_205 = tpu.vector_load_idx %arg7[%min3A_204] : memref<104xi32, #tpu.memory_space<vmem>>[vector<16xi32>], vector<16xi32>,
      %gt3A_206 = arith.constant 2 : i32
      %gt3A_207 = vector.broadcast %gt3A_206 : i32 to vector<16xi32>
      %gt3A_208 = arith.cmpi sgt, %select_n3A_142, %gt3A_207 : vector<16xi32>
      %jit3A_209 = arith.constant -1 : i32
      %broadcast_in_dim3A_210 = vector.broadcast %jit3A_209 : i32 to vector<16xi32>
      %select_n3A_211 = arith.select %gt3A_208, %gather3A_205, %broadcast_in_dim3A_210 : vector<16xi1>, vector<16xi32>
      %eq3A_212 = arith.constant 2 : i32
      %eq3A_213 = vector.broadcast %eq3A_212 : i32 to vector<16xi32>
      %eq3A_214 = arith.cmpi eq, %select_n3A_142, %eq3A_213 : vector<16xi32>
      %select_n3A_215 = arith.select %eq3A_214, %select_n3A_159, %select_n3A_211 : vector<16xi1>, vector<16xi32>
      %broadcast_in_dim3A_216 = arith.constant 2 : i32
      %broadcast_in_dim3A_217 = vector.broadcast %broadcast_in_dim3A_216 : i32 to vector<16xi32>
      tpu.vector_store_idx %arg8[%iota3A, %broadcast_in_dim3A_217], %select_n3A_215 : memref<16x9xi32, #tpu.memory_space<vmem>>[vector<16xi32>, vector<16xi32>], vector<16xi32>,
      %add3A_218 = arith.constant 3 : i32
      %add3A_219 = vector.broadcast %add3A_218 : i32 to vector<16xi32>
      %add3A_220 = arith.addi %sub3A, %add3A_219 : vector<16xi32>
      %min3A_221 = arith.constant 103 : i32
      %min3A_222 = vector.broadcast %min3A_221 : i32 to vector<16xi32>
      %min3A_223 = arith.minsi %add3A_220, %min3A_222 : vector<16xi32>
      %gather3A_224 = tpu.vector_load_idx %arg7[%min3A_223] : memref<104xi32, #tpu.memory_space<vmem>>[vector<16xi32>], vector<16xi32>,
      %gt3A_225 = arith.constant 3 : i32
      %gt3A_226 = vector.broadcast %gt3A_225 : i32 to vector<16xi32>
      %gt3A_227 = arith.cmpi sgt, %select_n3A_142, %gt3A_226 : vector<16xi32>
      %jit3A_228 = arith.constant -1 : i32
      %broadcast_in_dim3A_229 = vector.broadcast %jit3A_228 : i32 to vector<16xi32>
      %select_n3A_230 = arith.select %gt3A_227, %gather3A_224, %broadcast_in_dim3A_229 : vector<16xi1>, vector<16xi32>
      %eq3A_231 = arith.constant 3 : i32
      %eq3A_232 = vector.broadcast %eq3A_231 : i32 to vector<16xi32>
      %eq3A_233 = arith.cmpi eq, %select_n3A_142, %eq3A_232 : vector<16xi32>
      %select_n3A_234 = arith.select %eq3A_233, %select_n3A_159, %select_n3A_230 : vector<16xi1>, vector<16xi32>
      %broadcast_in_dim3A_235 = arith.constant 3 : i32
      %broadcast_in_dim3A_236 = vector.broadcast %broadcast_in_dim3A_235 : i32 to vector<16xi32>
      tpu.vector_store_idx %arg8[%iota3A, %broadcast_in_dim3A_236], %select_n3A_234 : memref<16x9xi32, #tpu.memory_space<vmem>>[vector<16xi32>, vector<16xi32>], vector<16xi32>,
      %add3A_237 = arith.constant 4 : i32
      %add3A_238 = vector.broadcast %add3A_237 : i32 to vector<16xi32>
      %add3A_239 = arith.addi %sub3A, %add3A_238 : vector<16xi32>
      %min3A_240 = arith.constant 103 : i32
      %min3A_241 = vector.broadcast %min3A_240 : i32 to vector<16xi32>
      %min3A_242 = arith.minsi %add3A_239, %min3A_241 : vector<16xi32>
      %gather3A_243 = tpu.vector_load_idx %arg7[%min3A_242] : memref<104xi32, #tpu.memory_space<vmem>>[vector<16xi32>], vector<16xi32>,
      %gt3A_244 = arith.constant 4 : i32
      %gt3A_245 = vector.broadcast %gt3A_244 : i32 to vector<16xi32>
      %gt3A_246 = arith.cmpi sgt, %select_n3A_142, %gt3A_245 : vector<16xi32>
      %jit3A_247 = arith.constant -1 : i32
      %broadcast_in_dim3A_248 = vector.broadcast %jit3A_247 : i32 to vector<16xi32>
      %select_n3A_249 = arith.select %gt3A_246, %gather3A_243, %broadcast_in_dim3A_248 : vector<16xi1>, vector<16xi32>
      %eq3A_250 = arith.constant 4 : i32
      %eq3A_251 = vector.broadcast %eq3A_250 : i32 to vector<16xi32>
      %eq3A_252 = arith.cmpi eq, %select_n3A_142, %eq3A_251 : vector<16xi32>
      %select_n3A_253 = arith.select %eq3A_252, %select_n3A_159, %select_n3A_249 : vector<16xi1>, vector<16xi32>
      %broadcast_in_dim3A_254 = arith.constant 4 : i32
      %broadcast_in_dim3A_255 = vector.broadcast %broadcast_in_dim3A_254 : i32 to vector<16xi32>
      tpu.vector_store_idx %arg8[%iota3A, %broadcast_in_dim3A_255], %select_n3A_253 : memref<16x9xi32, #tpu.memory_space<vmem>>[vector<16xi32>, vector<16xi32>], vector<16xi32>,
      %add3A_256 = arith.constant 5 : i32
      %add3A_257 = vector.broadcast %add3A_256 : i32 to vector<16xi32>
      %add3A_258 = arith.addi %sub3A, %add3A_257 : vector<16xi32>
      %min3A_259 = arith.constant 103 : i32
      %min3A_260 = vector.broadcast %min3A_259 : i32 to vector<16xi32>
      %min3A_261 = arith.minsi %add3A_258, %min3A_260 : vector<16xi32>
      %gather3A_262 = tpu.vector_load_idx %arg7[%min3A_261] : memref<104xi32, #tpu.memory_space<vmem>>[vector<16xi32>], vector<16xi32>,
      %gt3A_263 = arith.constant 5 : i32
      %gt3A_264 = vector.broadcast %gt3A_263 : i32 to vector<16xi32>
      %gt3A_265 = arith.cmpi sgt, %select_n3A_142, %gt3A_264 : vector<16xi32>
      %jit3A_266 = arith.constant -1 : i32
      %broadcast_in_dim3A_267 = vector.broadcast %jit3A_266 : i32 to vector<16xi32>
      %select_n3A_268 = arith.select %gt3A_265, %gather3A_262, %broadcast_in_dim3A_267 : vector<16xi1>, vector<16xi32>
      %eq3A_269 = arith.constant 5 : i32
      %eq3A_270 = vector.broadcast %eq3A_269 : i32 to vector<16xi32>
      %eq3A_271 = arith.cmpi eq, %select_n3A_142, %eq3A_270 : vector<16xi32>
      %select_n3A_272 = arith.select %eq3A_271, %select_n3A_159, %select_n3A_268 : vector<16xi1>, vector<16xi32>
      %broadcast_in_dim3A_273 = arith.constant 5 : i32
      %broadcast_in_dim3A_274 = vector.broadcast %broadcast_in_dim3A_273 : i32 to vector<16xi32>
      tpu.vector_store_idx %arg8[%iota3A, %broadcast_in_dim3A_274], %select_n3A_272 : memref<16x9xi32, #tpu.memory_space<vmem>>[vector<16xi32>, vector<16xi32>], vector<16xi32>,
      %add3A_275 = arith.constant 6 : i32
      %add3A_276 = vector.broadcast %add3A_275 : i32 to vector<16xi32>
      %add3A_277 = arith.addi %sub3A, %add3A_276 : vector<16xi32>
      %min3A_278 = arith.constant 103 : i32
      %min3A_279 = vector.broadcast %min3A_278 : i32 to vector<16xi32>
      %min3A_280 = arith.minsi %add3A_277, %min3A_279 : vector<16xi32>
      %gather3A_281 = tpu.vector_load_idx %arg7[%min3A_280] : memref<104xi32, #tpu.memory_space<vmem>>[vector<16xi32>], vector<16xi32>,
      %gt3A_282 = arith.constant 6 : i32
      %gt3A_283 = vector.broadcast %gt3A_282 : i32 to vector<16xi32>
      %gt3A_284 = arith.cmpi sgt, %select_n3A_142, %gt3A_283 : vector<16xi32>
      %jit3A_285 = arith.constant -1 : i32
      %broadcast_in_dim3A_286 = vector.broadcast %jit3A_285 : i32 to vector<16xi32>
      %select_n3A_287 = arith.select %gt3A_284, %gather3A_281, %broadcast_in_dim3A_286 : vector<16xi1>, vector<16xi32>
      %eq3A_288 = arith.constant 6 : i32
      %eq3A_289 = vector.broadcast %eq3A_288 : i32 to vector<16xi32>
      %eq3A_290 = arith.cmpi eq, %select_n3A_142, %eq3A_289 : vector<16xi32>
      %select_n3A_291 = arith.select %eq3A_290, %select_n3A_159, %select_n3A_287 : vector<16xi1>, vector<16xi32>
      %broadcast_in_dim3A_292 = arith.constant 6 : i32
      %broadcast_in_dim3A_293 = vector.broadcast %broadcast_in_dim3A_292 : i32 to vector<16xi32>
      tpu.vector_store_idx %arg8[%iota3A, %broadcast_in_dim3A_293], %select_n3A_291 : memref<16x9xi32, #tpu.memory_space<vmem>>[vector<16xi32>, vector<16xi32>], vector<16xi32>,
      %add3A_294 = arith.constant 7 : i32
      %add3A_295 = vector.broadcast %add3A_294 : i32 to vector<16xi32>
      %add3A_296 = arith.addi %sub3A, %add3A_295 : vector<16xi32>
      %min3A_297 = arith.constant 103 : i32
      %min3A_298 = vector.broadcast %min3A_297 : i32 to vector<16xi32>
      %min3A_299 = arith.minsi %add3A_296, %min3A_298 : vector<16xi32>
      %gather3A_300 = tpu.vector_load_idx %arg7[%min3A_299] : memref<104xi32, #tpu.memory_space<vmem>>[vector<16xi32>], vector<16xi32>,
      %gt3A_301 = arith.constant 7 : i32
      %gt3A_302 = vector.broadcast %gt3A_301 : i32 to vector<16xi32>
      %gt3A_303 = arith.cmpi sgt, %select_n3A_142, %gt3A_302 : vector<16xi32>
      %jit3A_304 = arith.constant -1 : i32
      %broadcast_in_dim3A_305 = vector.broadcast %jit3A_304 : i32 to vector<16xi32>
      %select_n3A_306 = arith.select %gt3A_303, %gather3A_300, %broadcast_in_dim3A_305 : vector<16xi1>, vector<16xi32>
      %eq3A_307 = arith.constant 7 : i32
      %eq3A_308 = vector.broadcast %eq3A_307 : i32 to vector<16xi32>
      %eq3A_309 = arith.cmpi eq, %select_n3A_142, %eq3A_308 : vector<16xi32>
      %select_n3A_310 = arith.select %eq3A_309, %select_n3A_159, %select_n3A_306 : vector<16xi1>, vector<16xi32>
      %broadcast_in_dim3A_311 = arith.constant 7 : i32
      %broadcast_in_dim3A_312 = vector.broadcast %broadcast_in_dim3A_311 : i32 to vector<16xi32>
      tpu.vector_store_idx %arg8[%iota3A, %broadcast_in_dim3A_312], %select_n3A_310 : memref<16x9xi32, #tpu.memory_space<vmem>>[vector<16xi32>, vector<16xi32>], vector<16xi32>,
      %add3A_313 = arith.constant 8 : i32
      %add3A_314 = vector.broadcast %add3A_313 : i32 to vector<16xi32>
      %add3A_315 = arith.addi %sub3A, %add3A_314 : vector<16xi32>
      %min3A_316 = arith.constant 103 : i32
      %min3A_317 = vector.broadcast %min3A_316 : i32 to vector<16xi32>
      %min3A_318 = arith.minsi %add3A_315, %min3A_317 : vector<16xi32>
      %gather3A_319 = tpu.vector_load_idx %arg7[%min3A_318] : memref<104xi32, #tpu.memory_space<vmem>>[vector<16xi32>], vector<16xi32>,
      %gt3A_320 = arith.constant 8 : i32
      %gt3A_321 = vector.broadcast %gt3A_320 : i32 to vector<16xi32>
      %gt3A_322 = arith.cmpi sgt, %select_n3A_142, %gt3A_321 : vector<16xi32>
      %jit3A_323 = arith.constant -1 : i32
      %broadcast_in_dim3A_324 = vector.broadcast %jit3A_323 : i32 to vector<16xi32>
      %select_n3A_325 = arith.select %gt3A_322, %gather3A_319, %broadcast_in_dim3A_324 : vector<16xi1>, vector<16xi32>
      %eq3A_326 = arith.constant 8 : i32
      %eq3A_327 = vector.broadcast %eq3A_326 : i32 to vector<16xi32>
      %eq3A_328 = arith.cmpi eq, %select_n3A_142, %eq3A_327 : vector<16xi32>
      %select_n3A_329 = arith.select %eq3A_328, %select_n3A_159, %select_n3A_325 : vector<16xi1>, vector<16xi32>
      %broadcast_in_dim3A_330 = arith.constant 8 : i32
      %broadcast_in_dim3A_331 = vector.broadcast %broadcast_in_dim3A_330 : i32 to vector<16xi32>
      tpu.vector_store_idx %arg8[%iota3A, %broadcast_in_dim3A_331], %select_n3A_329 : memref<16x9xi32, #tpu.memory_space<vmem>>[vector<16xi32>, vector<16xi32>], vector<16xi32>,
      tpu.enqueue_dma source(%arg8 : memref<16x9xi32, #tpu.memory_space<vmem>>) target(%arg4 : memref<16x9xi32, #tpu.memory_space<hbm>>) target_semaphore(%arg10 : memref<!tpu.dma_semaphore, #tpu.memory_space<semaphore_mem>>)
      tpu.enqueue_dma source(%arg9 : memref<16xi32, #tpu.memory_space<vmem>>) target(%arg5 : memref<16xi32, #tpu.memory_space<hbm>>) target_semaphore(%arg10 : memref<!tpu.dma_semaphore, #tpu.memory_space<semaphore_mem>>)
      tpu.wait_dma2 semaphore(%arg10 : memref<!tpu.dma_semaphore, #tpu.memory_space<semaphore_mem>>) src(%arg8 : memref<16x9xi32, #tpu.memory_space<vmem>>) dst(%arg4 : memref<16x9xi32, #tpu.memory_space<hbm>>)
      tpu.wait_dma2 semaphore(%arg10 : memref<!tpu.dma_semaphore, #tpu.memory_space<semaphore_mem>>) src(%arg9 : memref<16xi32, #tpu.memory_space<vmem>>) dst(%arg5 : memref<16xi32, #tpu.memory_space<hbm>>)
    } else {
    }
    return
  }
}

module attributes {stable_mosaic.version = 14 : i64} {
  func.func @_stats_kernel(%arg0: i32, %arg1: memref<104xi32, #tpu.memory_space<smem>>, %arg2: memref<8x32000xf32, #tpu.memory_space<vmem>>, %arg3: memref<8x32000xf32, #tpu.memory_space<vmem>>, %arg4: memref<8x32000xf32, #tpu.memory_space<vmem>>, %arg5: memref<8x2xi32, #tpu.memory_space<vmem>>) attributes {dimension_semantics = [#tpu.dimension_semantics<arbitrary>], iteration_bounds = array<i64: 15>, scalar_prefetch = 1 : i64, scratch_operands = 0 : i64, tpu.core_type = #tpu.core_type<tc>, window_params = [{transform_indices = @transform_0, window_bounds = array<i64: 8, 32000>}, {transform_indices = @transform_1, window_bounds = array<i64: 8, 32000>}, {transform_indices = @transform_2, window_bounds = array<i64: 8, 32000>}, {transform_indices = @transform_3, window_bounds = array<i64: 8, 2>}]} {
    %get3A = arith.constant 0 : index
    %get3A_0 = arith.constant 0 : index
    %get3A_1 = vector.load %arg2[%get3A, %get3A_0] : memref<8x32000xf32, #tpu.memory_space<vmem>>, vector<8x32000xf32>
    %lt3A = arith.constant 13 : i32
    %lt3A_2 = arith.cmpi slt, %arg0, %lt3A : i32
    %convert_element_type3A = arith.extui %lt3A_2 : i1 to i32
    %cond3A = arith.constant 0 : i32
    %cond3A_3 = arith.cmpi ne, %convert_element_type3A, %cond3A : i32
    scf.if %cond3A_3 {
      %get3A_8 = arith.constant 0 : index
      %get3A_9 = arith.constant 0 : index
      %get3A_10 = vector.load %arg3[%get3A_8, %get3A_9] : memref<8x32000xf32, #tpu.memory_space<vmem>>, vector<8x32000xf32>
      %get3A_11 = arith.constant 0 : index
      %get3A_12 = arith.constant 0 : index
      %get3A_13 = vector.load %arg4[%get3A_11, %get3A_12] : memref<8x32000xf32, #tpu.memory_space<vmem>>, vector<8x32000xf32>
      %exp3A = math.exp %get3A_1 : vector<8x32000xf32>
      %reduce_sum3A = arith.constant dense<0.000000e+00> : vector<8xf32>
      %reduce_sum3A_14 = vector.multi_reduction <add>, %exp3A, %reduce_sum3A [1] : vector<8x32000xf32> to vector<8xf32>
      %broadcast_in_dim3A = vector.shape_cast %reduce_sum3A_14 : vector<8xf32> to vector<8x1xf32>
      %exp3A_15 = math.exp %get3A_10 : vector<8x32000xf32>
      %reduce_sum3A_16 = arith.constant dense<0.000000e+00> : vector<8xf32>
      %reduce_sum3A_17 = vector.multi_reduction <add>, %exp3A_15, %reduce_sum3A_16 [1] : vector<8x32000xf32> to vector<8xf32>
      %broadcast_in_dim3A_18 = vector.shape_cast %reduce_sum3A_17 : vector<8xf32> to vector<8x1xf32>
      %iota3A = tpu.iota {dimensions = array<i32: 1>} : vector<1x128xi32>
      %mul3A = arith.constant 8 : i32
      %mul3A_19 = arith.muli %mul3A, %arg0 : i32
      %add3A = arith.constant 0 : i32
      %add3A_20 = arith.addi %mul3A_19, %add3A : i32
      %get3A_21 = arith.index_cast %add3A_20 : i32 to index
      %get3A_22 = memref.load %arg1[%get3A_21] : memref<104xi32, #tpu.memory_space<smem>>
      %jit3A = arith.constant 128 : i32
      %div3A = arith.divsi %get3A_22, %jit3A : i32
      %sign3A = arith.constant 0 : i32
      %sign3A_23 = arith.cmpi sgt, %get3A_22, %sign3A : i32
      %sign3A_24 = arith.extui %sign3A_23 : i1 to i32
      %sign3A_25 = arith.constant 0 : i32
      %sign3A_26 = arith.cmpi slt, %get3A_22, %sign3A_25 : i32
      %sign3A_27 = arith.extui %sign3A_26 : i1 to i32
      %sign3A_28 = arith.subi %sign3A_24, %sign3A_27 : i32
      %sign3A_29 = arith.constant 0 : i32
      %sign3A_30 = arith.cmpi sgt, %jit3A, %sign3A_29 : i32
      %sign3A_31 = arith.extui %sign3A_30 : i1 to i32
      %sign3A_32 = arith.constant 0 : i32
      %sign3A_33 = arith.cmpi slt, %jit3A, %sign3A_32 : i32
      %sign3A_34 = arith.extui %sign3A_33 : i1 to i32
      %sign3A_35 = arith.subi %sign3A_31, %sign3A_34 : i32
      %ne3A = arith.cmpi ne, %sign3A_28, %sign3A_35 : i32
      %rem3A = arith.remsi %get3A_22, %jit3A : i32
      %ne3A_36 = arith.constant 0 : i32
      %ne3A_37 = arith.cmpi ne, %rem3A, %ne3A_36 : i32
      %and3A = arith.andi %ne3A, %ne3A_37 : i1
      %sub3A = arith.constant 1 : i32
      %sub3A_38 = arith.subi %div3A, %sub3A : i32
      %select_n3A = arith.select %and3A, %sub3A_38, %div3A : i32
      %mul3A_39 = arith.constant 128 : i32
      %mul3A_40 = arith.muli %select_n3A, %mul3A_39 : i32
      %multiple_of3A = tpu.assume_multiple %mul3A_40, 128 : i32
      %get3A_41 = arith.constant 0 : index
      %get3A_42 = arith.index_cast %multiple_of3A : i32 to index
      %get3A_43 = vector.load %arg2[%get3A_41, %get3A_42] : memref<8x32000xf32, #tpu.memory_space<vmem>>, vector<1x128xf32>
      %jit3A_44 = arith.constant 128 : i32
      %eq3A = arith.constant 0 : i32
      %eq3A_45 = arith.cmpi eq, %jit3A_44, %eq3A : i32
      %jit3A_46 = arith.constant 1 : i32
      %select_n3A_47 = arith.select %eq3A_45, %jit3A_46, %jit3A_44 : i32
      %rem3A_48 = arith.remsi %get3A_22, %select_n3A_47 : i32
      %ne3A_49 = arith.constant 0 : i32
      %ne3A_50 = arith.cmpi ne, %rem3A_48, %ne3A_49 : i32
      %lt3A_51 = arith.constant 0 : i32
      %lt3A_52 = arith.cmpi slt, %rem3A_48, %lt3A_51 : i32
      %lt3A_53 = arith.constant 0 : i32
      %lt3A_54 = arith.cmpi slt, %select_n3A_47, %lt3A_53 : i32
      %ne3A_55 = arith.xori %lt3A_52, %lt3A_54 : i1
      %and3A_56 = arith.andi %ne3A_55, %ne3A_50 : i1
      %add3A_57 = arith.addi %rem3A_48, %select_n3A_47 : i32
      %select_n3A_58 = arith.select %and3A_56, %add3A_57, %rem3A_48 : i32
      %eq3A_59 = vector.broadcast %select_n3A_58 : i32 to vector<1x128xi32>
      %eq3A_60 = arith.cmpi eq, %iota3A, %eq3A_59 : vector<1x128xi32>
      %jit3A_61 = arith.constant 0.000000e+00 : f32
      %broadcast_in_dim3A_62 = vector.broadcast %jit3A_61 : f32 to vector<1x128xf32>
      %select_n3A_63 = arith.select %eq3A_60, %get3A_43, %broadcast_in_dim3A_62 : vector<1x128xi1>, vector<1x128xf32>
      %reduce_sum3A_64 = arith.constant dense<0.000000e+00> : vector<1xf32>
      %reduce_sum3A_65 = vector.multi_reduction <add>, %select_n3A_63, %reduce_sum3A_64 [1] : vector<1x128xf32> to vector<1xf32>
      %broadcast_in_dim3A_66 = vector.shape_cast %reduce_sum3A_65 : vector<1xf32> to vector<1x1xf32>
      %mul3A_67 = arith.constant 8 : i32
      %mul3A_68 = arith.muli %mul3A_67, %arg0 : i32
      %add3A_69 = arith.constant 1 : i32
      %add3A_70 = arith.addi %mul3A_68, %add3A_69 : i32
      %get3A_71 = arith.index_cast %add3A_70 : i32 to index
      %get3A_72 = memref.load %arg1[%get3A_71] : memref<104xi32, #tpu.memory_space<smem>>
      %jit3A_73 = arith.constant 128 : i32
      %div3A_74 = arith.divsi %get3A_72, %jit3A_73 : i32
      %sign3A_75 = arith.constant 0 : i32
      %sign3A_76 = arith.cmpi sgt, %get3A_72, %sign3A_75 : i32
      %sign3A_77 = arith.extui %sign3A_76 : i1 to i32
      %sign3A_78 = arith.constant 0 : i32
      %sign3A_79 = arith.cmpi slt, %get3A_72, %sign3A_78 : i32
      %sign3A_80 = arith.extui %sign3A_79 : i1 to i32
      %sign3A_81 = arith.subi %sign3A_77, %sign3A_80 : i32
      %sign3A_82 = arith.constant 0 : i32
      %sign3A_83 = arith.cmpi sgt, %jit3A_73, %sign3A_82 : i32
      %sign3A_84 = arith.extui %sign3A_83 : i1 to i32
      %sign3A_85 = arith.constant 0 : i32
      %sign3A_86 = arith.cmpi slt, %jit3A_73, %sign3A_85 : i32
      %sign3A_87 = arith.extui %sign3A_86 : i1 to i32
      %sign3A_88 = arith.subi %sign3A_84, %sign3A_87 : i32
      %ne3A_89 = arith.cmpi ne, %sign3A_81, %sign3A_88 : i32
      %rem3A_90 = arith.remsi %get3A_72, %jit3A_73 : i32
      %ne3A_91 = arith.constant 0 : i32
      %ne3A_92 = arith.cmpi ne, %rem3A_90, %ne3A_91 : i32
      %and3A_93 = arith.andi %ne3A_89, %ne3A_92 : i1
      %sub3A_94 = arith.constant 1 : i32
      %sub3A_95 = arith.subi %div3A_74, %sub3A_94 : i32
      %select_n3A_96 = arith.select %and3A_93, %sub3A_95, %div3A_74 : i32
      %mul3A_97 = arith.constant 128 : i32
      %mul3A_98 = arith.muli %select_n3A_96, %mul3A_97 : i32
      %multiple_of3A_99 = tpu.assume_multiple %mul3A_98, 128 : i32
      %get3A_100 = arith.constant 1 : index
      %get3A_101 = arith.index_cast %multiple_of3A_99 : i32 to index
      %get3A_102 = vector.load %arg2[%get3A_100, %get3A_101] : memref<8x32000xf32, #tpu.memory_space<vmem>>, vector<1x128xf32>
      %jit3A_103 = arith.constant 128 : i32
      %eq3A_104 = arith.constant 0 : i32
      %eq3A_105 = arith.cmpi eq, %jit3A_103, %eq3A_104 : i32
      %jit3A_106 = arith.constant 1 : i32
      %select_n3A_107 = arith.select %eq3A_105, %jit3A_106, %jit3A_103 : i32
      %rem3A_108 = arith.remsi %get3A_72, %select_n3A_107 : i32
      %ne3A_109 = arith.constant 0 : i32
      %ne3A_110 = arith.cmpi ne, %rem3A_108, %ne3A_109 : i32
      %lt3A_111 = arith.constant 0 : i32
      %lt3A_112 = arith.cmpi slt, %rem3A_108, %lt3A_111 : i32
      %lt3A_113 = arith.constant 0 : i32
      %lt3A_114 = arith.cmpi slt, %select_n3A_107, %lt3A_113 : i32
      %ne3A_115 = arith.xori %lt3A_112, %lt3A_114 : i1
      %and3A_116 = arith.andi %ne3A_115, %ne3A_110 : i1
      %add3A_117 = arith.addi %rem3A_108, %select_n3A_107 : i32
      %select_n3A_118 = arith.select %and3A_116, %add3A_117, %rem3A_108 : i32
      %eq3A_119 = vector.broadcast %select_n3A_118 : i32 to vector<1x128xi32>
      %eq3A_120 = arith.cmpi eq, %iota3A, %eq3A_119 : vector<1x128xi32>
      %jit3A_121 = arith.constant 0.000000e+00 : f32
      %broadcast_in_dim3A_122 = vector.broadcast %jit3A_121 : f32 to vector<1x128xf32>
      %select_n3A_123 = arith.select %eq3A_120, %get3A_102, %broadcast_in_dim3A_122 : vector<1x128xi1>, vector<1x128xf32>
      %reduce_sum3A_124 = arith.constant dense<0.000000e+00> : vector<1xf32>
      %reduce_sum3A_125 = vector.multi_reduction <add>, %select_n3A_123, %reduce_sum3A_124 [1] : vector<1x128xf32> to vector<1xf32>
      %broadcast_in_dim3A_126 = vector.shape_cast %reduce_sum3A_125 : vector<1xf32> to vector<1x1xf32>
      %mul3A_127 = arith.constant 8 : i32
      %mul3A_128 = arith.muli %mul3A_127, %arg0 : i32
      %add3A_129 = arith.constant 2 : i32
      %add3A_130 = arith.addi %mul3A_128, %add3A_129 : i32
      %get3A_131 = arith.index_cast %add3A_130 : i32 to index
      %get3A_132 = memref.load %arg1[%get3A_131] : memref<104xi32, #tpu.memory_space<smem>>
      %jit3A_133 = arith.constant 128 : i32
      %div3A_134 = arith.divsi %get3A_132, %jit3A_133 : i32
      %sign3A_135 = arith.constant 0 : i32
      %sign3A_136 = arith.cmpi sgt, %get3A_132, %sign3A_135 : i32
      %sign3A_137 = arith.extui %sign3A_136 : i1 to i32
      %sign3A_138 = arith.constant 0 : i32
      %sign3A_139 = arith.cmpi slt, %get3A_132, %sign3A_138 : i32
      %sign3A_140 = arith.extui %sign3A_139 : i1 to i32
      %sign3A_141 = arith.subi %sign3A_137, %sign3A_140 : i32
      %sign3A_142 = arith.constant 0 : i32
      %sign3A_143 = arith.cmpi sgt, %jit3A_133, %sign3A_142 : i32
      %sign3A_144 = arith.extui %sign3A_143 : i1 to i32
      %sign3A_145 = arith.constant 0 : i32
      %sign3A_146 = arith.cmpi slt, %jit3A_133, %sign3A_145 : i32
      %sign3A_147 = arith.extui %sign3A_146 : i1 to i32
      %sign3A_148 = arith.subi %sign3A_144, %sign3A_147 : i32
      %ne3A_149 = arith.cmpi ne, %sign3A_141, %sign3A_148 : i32
      %rem3A_150 = arith.remsi %get3A_132, %jit3A_133 : i32
      %ne3A_151 = arith.constant 0 : i32
      %ne3A_152 = arith.cmpi ne, %rem3A_150, %ne3A_151 : i32
      %and3A_153 = arith.andi %ne3A_149, %ne3A_152 : i1
      %sub3A_154 = arith.constant 1 : i32
      %sub3A_155 = arith.subi %div3A_134, %sub3A_154 : i32
      %select_n3A_156 = arith.select %and3A_153, %sub3A_155, %div3A_134 : i32
      %mul3A_157 = arith.constant 128 : i32
      %mul3A_158 = arith.muli %select_n3A_156, %mul3A_157 : i32
      %multiple_of3A_159 = tpu.assume_multiple %mul3A_158, 128 : i32
      %get3A_160 = arith.constant 2 : index
      %get3A_161 = arith.index_cast %multiple_of3A_159 : i32 to index
      %get3A_162 = vector.load %arg2[%get3A_160, %get3A_161] : memref<8x32000xf32, #tpu.memory_space<vmem>>, vector<1x128xf32>
      %jit3A_163 = arith.constant 128 : i32
      %eq3A_164 = arith.constant 0 : i32
      %eq3A_165 = arith.cmpi eq, %jit3A_163, %eq3A_164 : i32
      %jit3A_166 = arith.constant 1 : i32
      %select_n3A_167 = arith.select %eq3A_165, %jit3A_166, %jit3A_163 : i32
      %rem3A_168 = arith.remsi %get3A_132, %select_n3A_167 : i32
      %ne3A_169 = arith.constant 0 : i32
      %ne3A_170 = arith.cmpi ne, %rem3A_168, %ne3A_169 : i32
      %lt3A_171 = arith.constant 0 : i32
      %lt3A_172 = arith.cmpi slt, %rem3A_168, %lt3A_171 : i32
      %lt3A_173 = arith.constant 0 : i32
      %lt3A_174 = arith.cmpi slt, %select_n3A_167, %lt3A_173 : i32
      %ne3A_175 = arith.xori %lt3A_172, %lt3A_174 : i1
      %and3A_176 = arith.andi %ne3A_175, %ne3A_170 : i1
      %add3A_177 = arith.addi %rem3A_168, %select_n3A_167 : i32
      %select_n3A_178 = arith.select %and3A_176, %add3A_177, %rem3A_168 : i32
      %eq3A_179 = vector.broadcast %select_n3A_178 : i32 to vector<1x128xi32>
      %eq3A_180 = arith.cmpi eq, %iota3A, %eq3A_179 : vector<1x128xi32>
      %jit3A_181 = arith.constant 0.000000e+00 : f32
      %broadcast_in_dim3A_182 = vector.broadcast %jit3A_181 : f32 to vector<1x128xf32>
      %select_n3A_183 = arith.select %eq3A_180, %get3A_162, %broadcast_in_dim3A_182 : vector<1x128xi1>, vector<1x128xf32>
      %reduce_sum3A_184 = arith.constant dense<0.000000e+00> : vector<1xf32>
      %reduce_sum3A_185 = vector.multi_reduction <add>, %select_n3A_183, %reduce_sum3A_184 [1] : vector<1x128xf32> to vector<1xf32>
      %broadcast_in_dim3A_186 = vector.shape_cast %reduce_sum3A_185 : vector<1xf32> to vector<1x1xf32>
      %mul3A_187 = arith.constant 8 : i32
      %mul3A_188 = arith.muli %mul3A_187, %arg0 : i32
      %add3A_189 = arith.constant 3 : i32
      %add3A_190 = arith.addi %mul3A_188, %add3A_189 : i32
      %get3A_191 = arith.index_cast %add3A_190 : i32 to index
      %get3A_192 = memref.load %arg1[%get3A_191] : memref<104xi32, #tpu.memory_space<smem>>
      %jit3A_193 = arith.constant 128 : i32
      %div3A_194 = arith.divsi %get3A_192, %jit3A_193 : i32
      %sign3A_195 = arith.constant 0 : i32
      %sign3A_196 = arith.cmpi sgt, %get3A_192, %sign3A_195 : i32
      %sign3A_197 = arith.extui %sign3A_196 : i1 to i32
      %sign3A_198 = arith.constant 0 : i32
      %sign3A_199 = arith.cmpi slt, %get3A_192, %sign3A_198 : i32
      %sign3A_200 = arith.extui %sign3A_199 : i1 to i32
      %sign3A_201 = arith.subi %sign3A_197, %sign3A_200 : i32
      %sign3A_202 = arith.constant 0 : i32
      %sign3A_203 = arith.cmpi sgt, %jit3A_193, %sign3A_202 : i32
      %sign3A_204 = arith.extui %sign3A_203 : i1 to i32
      %sign3A_205 = arith.constant 0 : i32
      %sign3A_206 = arith.cmpi slt, %jit3A_193, %sign3A_205 : i32
      %sign3A_207 = arith.extui %sign3A_206 : i1 to i32
      %sign3A_208 = arith.subi %sign3A_204, %sign3A_207 : i32
      %ne3A_209 = arith.cmpi ne, %sign3A_201, %sign3A_208 : i32
      %rem3A_210 = arith.remsi %get3A_192, %jit3A_193 : i32
      %ne3A_211 = arith.constant 0 : i32
      %ne3A_212 = arith.cmpi ne, %rem3A_210, %ne3A_211 : i32
      %and3A_213 = arith.andi %ne3A_209, %ne3A_212 : i1
      %sub3A_214 = arith.constant 1 : i32
      %sub3A_215 = arith.subi %div3A_194, %sub3A_214 : i32
      %select_n3A_216 = arith.select %and3A_213, %sub3A_215, %div3A_194 : i32
      %mul3A_217 = arith.constant 128 : i32
      %mul3A_218 = arith.muli %select_n3A_216, %mul3A_217 : i32
      %multiple_of3A_219 = tpu.assume_multiple %mul3A_218, 128 : i32
      %get3A_220 = arith.constant 3 : index
      %get3A_221 = arith.index_cast %multiple_of3A_219 : i32 to index
      %get3A_222 = vector.load %arg2[%get3A_220, %get3A_221] : memref<8x32000xf32, #tpu.memory_space<vmem>>, vector<1x128xf32>
      %jit3A_223 = arith.constant 128 : i32
      %eq3A_224 = arith.constant 0 : i32
      %eq3A_225 = arith.cmpi eq, %jit3A_223, %eq3A_224 : i32
      %jit3A_226 = arith.constant 1 : i32
      %select_n3A_227 = arith.select %eq3A_225, %jit3A_226, %jit3A_223 : i32
      %rem3A_228 = arith.remsi %get3A_192, %select_n3A_227 : i32
      %ne3A_229 = arith.constant 0 : i32
      %ne3A_230 = arith.cmpi ne, %rem3A_228, %ne3A_229 : i32
      %lt3A_231 = arith.constant 0 : i32
      %lt3A_232 = arith.cmpi slt, %rem3A_228, %lt3A_231 : i32
      %lt3A_233 = arith.constant 0 : i32
      %lt3A_234 = arith.cmpi slt, %select_n3A_227, %lt3A_233 : i32
      %ne3A_235 = arith.xori %lt3A_232, %lt3A_234 : i1
      %and3A_236 = arith.andi %ne3A_235, %ne3A_230 : i1
      %add3A_237 = arith.addi %rem3A_228, %select_n3A_227 : i32
      %select_n3A_238 = arith.select %and3A_236, %add3A_237, %rem3A_228 : i32
      %eq3A_239 = vector.broadcast %select_n3A_238 : i32 to vector<1x128xi32>
      %eq3A_240 = arith.cmpi eq, %iota3A, %eq3A_239 : vector<1x128xi32>
      %jit3A_241 = arith.constant 0.000000e+00 : f32
      %broadcast_in_dim3A_242 = vector.broadcast %jit3A_241 : f32 to vector<1x128xf32>
      %select_n3A_243 = arith.select %eq3A_240, %get3A_222, %broadcast_in_dim3A_242 : vector<1x128xi1>, vector<1x128xf32>
      %reduce_sum3A_244 = arith.constant dense<0.000000e+00> : vector<1xf32>
      %reduce_sum3A_245 = vector.multi_reduction <add>, %select_n3A_243, %reduce_sum3A_244 [1] : vector<1x128xf32> to vector<1xf32>
      %broadcast_in_dim3A_246 = vector.shape_cast %reduce_sum3A_245 : vector<1xf32> to vector<1x1xf32>
      %mul3A_247 = arith.constant 8 : i32
      %mul3A_248 = arith.muli %mul3A_247, %arg0 : i32
      %add3A_249 = arith.constant 4 : i32
      %add3A_250 = arith.addi %mul3A_248, %add3A_249 : i32
      %get3A_251 = arith.index_cast %add3A_250 : i32 to index
      %get3A_252 = memref.load %arg1[%get3A_251] : memref<104xi32, #tpu.memory_space<smem>>
      %jit3A_253 = arith.constant 128 : i32
      %div3A_254 = arith.divsi %get3A_252, %jit3A_253 : i32
      %sign3A_255 = arith.constant 0 : i32
      %sign3A_256 = arith.cmpi sgt, %get3A_252, %sign3A_255 : i32
      %sign3A_257 = arith.extui %sign3A_256 : i1 to i32
      %sign3A_258 = arith.constant 0 : i32
      %sign3A_259 = arith.cmpi slt, %get3A_252, %sign3A_258 : i32
      %sign3A_260 = arith.extui %sign3A_259 : i1 to i32
      %sign3A_261 = arith.subi %sign3A_257, %sign3A_260 : i32
      %sign3A_262 = arith.constant 0 : i32
      %sign3A_263 = arith.cmpi sgt, %jit3A_253, %sign3A_262 : i32
      %sign3A_264 = arith.extui %sign3A_263 : i1 to i32
      %sign3A_265 = arith.constant 0 : i32
      %sign3A_266 = arith.cmpi slt, %jit3A_253, %sign3A_265 : i32
      %sign3A_267 = arith.extui %sign3A_266 : i1 to i32
      %sign3A_268 = arith.subi %sign3A_264, %sign3A_267 : i32
      %ne3A_269 = arith.cmpi ne, %sign3A_261, %sign3A_268 : i32
      %rem3A_270 = arith.remsi %get3A_252, %jit3A_253 : i32
      %ne3A_271 = arith.constant 0 : i32
      %ne3A_272 = arith.cmpi ne, %rem3A_270, %ne3A_271 : i32
      %and3A_273 = arith.andi %ne3A_269, %ne3A_272 : i1
      %sub3A_274 = arith.constant 1 : i32
      %sub3A_275 = arith.subi %div3A_254, %sub3A_274 : i32
      %select_n3A_276 = arith.select %and3A_273, %sub3A_275, %div3A_254 : i32
      %mul3A_277 = arith.constant 128 : i32
      %mul3A_278 = arith.muli %select_n3A_276, %mul3A_277 : i32
      %multiple_of3A_279 = tpu.assume_multiple %mul3A_278, 128 : i32
      %get3A_280 = arith.constant 4 : index
      %get3A_281 = arith.index_cast %multiple_of3A_279 : i32 to index
      %get3A_282 = vector.load %arg2[%get3A_280, %get3A_281] : memref<8x32000xf32, #tpu.memory_space<vmem>>, vector<1x128xf32>
      %jit3A_283 = arith.constant 128 : i32
      %eq3A_284 = arith.constant 0 : i32
      %eq3A_285 = arith.cmpi eq, %jit3A_283, %eq3A_284 : i32
      %jit3A_286 = arith.constant 1 : i32
      %select_n3A_287 = arith.select %eq3A_285, %jit3A_286, %jit3A_283 : i32
      %rem3A_288 = arith.remsi %get3A_252, %select_n3A_287 : i32
      %ne3A_289 = arith.constant 0 : i32
      %ne3A_290 = arith.cmpi ne, %rem3A_288, %ne3A_289 : i32
      %lt3A_291 = arith.constant 0 : i32
      %lt3A_292 = arith.cmpi slt, %rem3A_288, %lt3A_291 : i32
      %lt3A_293 = arith.constant 0 : i32
      %lt3A_294 = arith.cmpi slt, %select_n3A_287, %lt3A_293 : i32
      %ne3A_295 = arith.xori %lt3A_292, %lt3A_294 : i1
      %and3A_296 = arith.andi %ne3A_295, %ne3A_290 : i1
      %add3A_297 = arith.addi %rem3A_288, %select_n3A_287 : i32
      %select_n3A_298 = arith.select %and3A_296, %add3A_297, %rem3A_288 : i32
      %eq3A_299 = vector.broadcast %select_n3A_298 : i32 to vector<1x128xi32>
      %eq3A_300 = arith.cmpi eq, %iota3A, %eq3A_299 : vector<1x128xi32>
      %jit3A_301 = arith.constant 0.000000e+00 : f32
      %broadcast_in_dim3A_302 = vector.broadcast %jit3A_301 : f32 to vector<1x128xf32>
      %select_n3A_303 = arith.select %eq3A_300, %get3A_282, %broadcast_in_dim3A_302 : vector<1x128xi1>, vector<1x128xf32>
      %reduce_sum3A_304 = arith.constant dense<0.000000e+00> : vector<1xf32>
      %reduce_sum3A_305 = vector.multi_reduction <add>, %select_n3A_303, %reduce_sum3A_304 [1] : vector<1x128xf32> to vector<1xf32>
      %broadcast_in_dim3A_306 = vector.shape_cast %reduce_sum3A_305 : vector<1xf32> to vector<1x1xf32>
      %mul3A_307 = arith.constant 8 : i32
      %mul3A_308 = arith.muli %mul3A_307, %arg0 : i32
      %add3A_309 = arith.constant 5 : i32
      %add3A_310 = arith.addi %mul3A_308, %add3A_309 : i32
      %get3A_311 = arith.index_cast %add3A_310 : i32 to index
      %get3A_312 = memref.load %arg1[%get3A_311] : memref<104xi32, #tpu.memory_space<smem>>
      %jit3A_313 = arith.constant 128 : i32
      %div3A_314 = arith.divsi %get3A_312, %jit3A_313 : i32
      %sign3A_315 = arith.constant 0 : i32
      %sign3A_316 = arith.cmpi sgt, %get3A_312, %sign3A_315 : i32
      %sign3A_317 = arith.extui %sign3A_316 : i1 to i32
      %sign3A_318 = arith.constant 0 : i32
      %sign3A_319 = arith.cmpi slt, %get3A_312, %sign3A_318 : i32
      %sign3A_320 = arith.extui %sign3A_319 : i1 to i32
      %sign3A_321 = arith.subi %sign3A_317, %sign3A_320 : i32
      %sign3A_322 = arith.constant 0 : i32
      %sign3A_323 = arith.cmpi sgt, %jit3A_313, %sign3A_322 : i32
      %sign3A_324 = arith.extui %sign3A_323 : i1 to i32
      %sign3A_325 = arith.constant 0 : i32
      %sign3A_326 = arith.cmpi slt, %jit3A_313, %sign3A_325 : i32
      %sign3A_327 = arith.extui %sign3A_326 : i1 to i32
      %sign3A_328 = arith.subi %sign3A_324, %sign3A_327 : i32
      %ne3A_329 = arith.cmpi ne, %sign3A_321, %sign3A_328 : i32
      %rem3A_330 = arith.remsi %get3A_312, %jit3A_313 : i32
      %ne3A_331 = arith.constant 0 : i32
      %ne3A_332 = arith.cmpi ne, %rem3A_330, %ne3A_331 : i32
      %and3A_333 = arith.andi %ne3A_329, %ne3A_332 : i1
      %sub3A_334 = arith.constant 1 : i32
      %sub3A_335 = arith.subi %div3A_314, %sub3A_334 : i32
      %select_n3A_336 = arith.select %and3A_333, %sub3A_335, %div3A_314 : i32
      %mul3A_337 = arith.constant 128 : i32
      %mul3A_338 = arith.muli %select_n3A_336, %mul3A_337 : i32
      %multiple_of3A_339 = tpu.assume_multiple %mul3A_338, 128 : i32
      %get3A_340 = arith.constant 5 : index
      %get3A_341 = arith.index_cast %multiple_of3A_339 : i32 to index
      %get3A_342 = vector.load %arg2[%get3A_340, %get3A_341] : memref<8x32000xf32, #tpu.memory_space<vmem>>, vector<1x128xf32>
      %jit3A_343 = arith.constant 128 : i32
      %eq3A_344 = arith.constant 0 : i32
      %eq3A_345 = arith.cmpi eq, %jit3A_343, %eq3A_344 : i32
      %jit3A_346 = arith.constant 1 : i32
      %select_n3A_347 = arith.select %eq3A_345, %jit3A_346, %jit3A_343 : i32
      %rem3A_348 = arith.remsi %get3A_312, %select_n3A_347 : i32
      %ne3A_349 = arith.constant 0 : i32
      %ne3A_350 = arith.cmpi ne, %rem3A_348, %ne3A_349 : i32
      %lt3A_351 = arith.constant 0 : i32
      %lt3A_352 = arith.cmpi slt, %rem3A_348, %lt3A_351 : i32
      %lt3A_353 = arith.constant 0 : i32
      %lt3A_354 = arith.cmpi slt, %select_n3A_347, %lt3A_353 : i32
      %ne3A_355 = arith.xori %lt3A_352, %lt3A_354 : i1
      %and3A_356 = arith.andi %ne3A_355, %ne3A_350 : i1
      %add3A_357 = arith.addi %rem3A_348, %select_n3A_347 : i32
      %select_n3A_358 = arith.select %and3A_356, %add3A_357, %rem3A_348 : i32
      %eq3A_359 = vector.broadcast %select_n3A_358 : i32 to vector<1x128xi32>
      %eq3A_360 = arith.cmpi eq, %iota3A, %eq3A_359 : vector<1x128xi32>
      %jit3A_361 = arith.constant 0.000000e+00 : f32
      %broadcast_in_dim3A_362 = vector.broadcast %jit3A_361 : f32 to vector<1x128xf32>
      %select_n3A_363 = arith.select %eq3A_360, %get3A_342, %broadcast_in_dim3A_362 : vector<1x128xi1>, vector<1x128xf32>
      %reduce_sum3A_364 = arith.constant dense<0.000000e+00> : vector<1xf32>
      %reduce_sum3A_365 = vector.multi_reduction <add>, %select_n3A_363, %reduce_sum3A_364 [1] : vector<1x128xf32> to vector<1xf32>
      %broadcast_in_dim3A_366 = vector.shape_cast %reduce_sum3A_365 : vector<1xf32> to vector<1x1xf32>
      %mul3A_367 = arith.constant 8 : i32
      %mul3A_368 = arith.muli %mul3A_367, %arg0 : i32
      %add3A_369 = arith.constant 6 : i32
      %add3A_370 = arith.addi %mul3A_368, %add3A_369 : i32
      %get3A_371 = arith.index_cast %add3A_370 : i32 to index
      %get3A_372 = memref.load %arg1[%get3A_371] : memref<104xi32, #tpu.memory_space<smem>>
      %jit3A_373 = arith.constant 128 : i32
      %div3A_374 = arith.divsi %get3A_372, %jit3A_373 : i32
      %sign3A_375 = arith.constant 0 : i32
      %sign3A_376 = arith.cmpi sgt, %get3A_372, %sign3A_375 : i32
      %sign3A_377 = arith.extui %sign3A_376 : i1 to i32
      %sign3A_378 = arith.constant 0 : i32
      %sign3A_379 = arith.cmpi slt, %get3A_372, %sign3A_378 : i32
      %sign3A_380 = arith.extui %sign3A_379 : i1 to i32
      %sign3A_381 = arith.subi %sign3A_377, %sign3A_380 : i32
      %sign3A_382 = arith.constant 0 : i32
      %sign3A_383 = arith.cmpi sgt, %jit3A_373, %sign3A_382 : i32
      %sign3A_384 = arith.extui %sign3A_383 : i1 to i32
      %sign3A_385 = arith.constant 0 : i32
      %sign3A_386 = arith.cmpi slt, %jit3A_373, %sign3A_385 : i32
      %sign3A_387 = arith.extui %sign3A_386 : i1 to i32
      %sign3A_388 = arith.subi %sign3A_384, %sign3A_387 : i32
      %ne3A_389 = arith.cmpi ne, %sign3A_381, %sign3A_388 : i32
      %rem3A_390 = arith.remsi %get3A_372, %jit3A_373 : i32
      %ne3A_391 = arith.constant 0 : i32
      %ne3A_392 = arith.cmpi ne, %rem3A_390, %ne3A_391 : i32
      %and3A_393 = arith.andi %ne3A_389, %ne3A_392 : i1
      %sub3A_394 = arith.constant 1 : i32
      %sub3A_395 = arith.subi %div3A_374, %sub3A_394 : i32
      %select_n3A_396 = arith.select %and3A_393, %sub3A_395, %div3A_374 : i32
      %mul3A_397 = arith.constant 128 : i32
      %mul3A_398 = arith.muli %select_n3A_396, %mul3A_397 : i32
      %multiple_of3A_399 = tpu.assume_multiple %mul3A_398, 128 : i32
      %get3A_400 = arith.constant 6 : index
      %get3A_401 = arith.index_cast %multiple_of3A_399 : i32 to index
      %get3A_402 = vector.load %arg2[%get3A_400, %get3A_401] : memref<8x32000xf32, #tpu.memory_space<vmem>>, vector<1x128xf32>
      %jit3A_403 = arith.constant 128 : i32
      %eq3A_404 = arith.constant 0 : i32
      %eq3A_405 = arith.cmpi eq, %jit3A_403, %eq3A_404 : i32
      %jit3A_406 = arith.constant 1 : i32
      %select_n3A_407 = arith.select %eq3A_405, %jit3A_406, %jit3A_403 : i32
      %rem3A_408 = arith.remsi %get3A_372, %select_n3A_407 : i32
      %ne3A_409 = arith.constant 0 : i32
      %ne3A_410 = arith.cmpi ne, %rem3A_408, %ne3A_409 : i32
      %lt3A_411 = arith.constant 0 : i32
      %lt3A_412 = arith.cmpi slt, %rem3A_408, %lt3A_411 : i32
      %lt3A_413 = arith.constant 0 : i32
      %lt3A_414 = arith.cmpi slt, %select_n3A_407, %lt3A_413 : i32
      %ne3A_415 = arith.xori %lt3A_412, %lt3A_414 : i1
      %and3A_416 = arith.andi %ne3A_415, %ne3A_410 : i1
      %add3A_417 = arith.addi %rem3A_408, %select_n3A_407 : i32
      %select_n3A_418 = arith.select %and3A_416, %add3A_417, %rem3A_408 : i32
      %eq3A_419 = vector.broadcast %select_n3A_418 : i32 to vector<1x128xi32>
      %eq3A_420 = arith.cmpi eq, %iota3A, %eq3A_419 : vector<1x128xi32>
      %jit3A_421 = arith.constant 0.000000e+00 : f32
      %broadcast_in_dim3A_422 = vector.broadcast %jit3A_421 : f32 to vector<1x128xf32>
      %select_n3A_423 = arith.select %eq3A_420, %get3A_402, %broadcast_in_dim3A_422 : vector<1x128xi1>, vector<1x128xf32>
      %reduce_sum3A_424 = arith.constant dense<0.000000e+00> : vector<1xf32>
      %reduce_sum3A_425 = vector.multi_reduction <add>, %select_n3A_423, %reduce_sum3A_424 [1] : vector<1x128xf32> to vector<1xf32>
      %broadcast_in_dim3A_426 = vector.shape_cast %reduce_sum3A_425 : vector<1xf32> to vector<1x1xf32>
      %mul3A_427 = arith.constant 8 : i32
      %mul3A_428 = arith.muli %mul3A_427, %arg0 : i32
      %add3A_429 = arith.constant 7 : i32
      %add3A_430 = arith.addi %mul3A_428, %add3A_429 : i32
      %get3A_431 = arith.index_cast %add3A_430 : i32 to index
      %get3A_432 = memref.load %arg1[%get3A_431] : memref<104xi32, #tpu.memory_space<smem>>
      %jit3A_433 = arith.constant 128 : i32
      %div3A_434 = arith.divsi %get3A_432, %jit3A_433 : i32
      %sign3A_435 = arith.constant 0 : i32
      %sign3A_436 = arith.cmpi sgt, %get3A_432, %sign3A_435 : i32
      %sign3A_437 = arith.extui %sign3A_436 : i1 to i32
      %sign3A_438 = arith.constant 0 : i32
      %sign3A_439 = arith.cmpi slt, %get3A_432, %sign3A_438 : i32
      %sign3A_440 = arith.extui %sign3A_439 : i1 to i32
      %sign3A_441 = arith.subi %sign3A_437, %sign3A_440 : i32
      %sign3A_442 = arith.constant 0 : i32
      %sign3A_443 = arith.cmpi sgt, %jit3A_433, %sign3A_442 : i32
      %sign3A_444 = arith.extui %sign3A_443 : i1 to i32
      %sign3A_445 = arith.constant 0 : i32
      %sign3A_446 = arith.cmpi slt, %jit3A_433, %sign3A_445 : i32
      %sign3A_447 = arith.extui %sign3A_446 : i1 to i32
      %sign3A_448 = arith.subi %sign3A_444, %sign3A_447 : i32
      %ne3A_449 = arith.cmpi ne, %sign3A_441, %sign3A_448 : i32
      %rem3A_450 = arith.remsi %get3A_432, %jit3A_433 : i32
      %ne3A_451 = arith.constant 0 : i32
      %ne3A_452 = arith.cmpi ne, %rem3A_450, %ne3A_451 : i32
      %and3A_453 = arith.andi %ne3A_449, %ne3A_452 : i1
      %sub3A_454 = arith.constant 1 : i32
      %sub3A_455 = arith.subi %div3A_434, %sub3A_454 : i32
      %select_n3A_456 = arith.select %and3A_453, %sub3A_455, %div3A_434 : i32
      %mul3A_457 = arith.constant 128 : i32
      %mul3A_458 = arith.muli %select_n3A_456, %mul3A_457 : i32
      %multiple_of3A_459 = tpu.assume_multiple %mul3A_458, 128 : i32
      %get3A_460 = arith.constant 7 : index
      %get3A_461 = arith.index_cast %multiple_of3A_459 : i32 to index
      %get3A_462 = vector.load %arg2[%get3A_460, %get3A_461] : memref<8x32000xf32, #tpu.memory_space<vmem>>, vector<1x128xf32>
      %jit3A_463 = arith.constant 128 : i32
      %eq3A_464 = arith.constant 0 : i32
      %eq3A_465 = arith.cmpi eq, %jit3A_463, %eq3A_464 : i32
      %jit3A_466 = arith.constant 1 : i32
      %select_n3A_467 = arith.select %eq3A_465, %jit3A_466, %jit3A_463 : i32
      %rem3A_468 = arith.remsi %get3A_432, %select_n3A_467 : i32
      %ne3A_469 = arith.constant 0 : i32
      %ne3A_470 = arith.cmpi ne, %rem3A_468, %ne3A_469 : i32
      %lt3A_471 = arith.constant 0 : i32
      %lt3A_472 = arith.cmpi slt, %rem3A_468, %lt3A_471 : i32
      %lt3A_473 = arith.constant 0 : i32
      %lt3A_474 = arith.cmpi slt, %select_n3A_467, %lt3A_473 : i32
      %ne3A_475 = arith.xori %lt3A_472, %lt3A_474 : i1
      %and3A_476 = arith.andi %ne3A_475, %ne3A_470 : i1
      %add3A_477 = arith.addi %rem3A_468, %select_n3A_467 : i32
      %select_n3A_478 = arith.select %and3A_476, %add3A_477, %rem3A_468 : i32
      %eq3A_479 = vector.broadcast %select_n3A_478 : i32 to vector<1x128xi32>
      %eq3A_480 = arith.cmpi eq, %iota3A, %eq3A_479 : vector<1x128xi32>
      %jit3A_481 = arith.constant 0.000000e+00 : f32
      %broadcast_in_dim3A_482 = vector.broadcast %jit3A_481 : f32 to vector<1x128xf32>
      %select_n3A_483 = arith.select %eq3A_480, %get3A_462, %broadcast_in_dim3A_482 : vector<1x128xi1>, vector<1x128xf32>
      %reduce_sum3A_484 = arith.constant dense<0.000000e+00> : vector<1xf32>
      %reduce_sum3A_485 = vector.multi_reduction <add>, %select_n3A_483, %reduce_sum3A_484 [1] : vector<1x128xf32> to vector<1xf32>
      %broadcast_in_dim3A_486 = vector.shape_cast %reduce_sum3A_485 : vector<1xf32> to vector<1x1xf32>
      %concatenate3A = tpu.concatenate %broadcast_in_dim3A_66, %broadcast_in_dim3A_126, %broadcast_in_dim3A_186, %broadcast_in_dim3A_246, %broadcast_in_dim3A_306, %broadcast_in_dim3A_366, %broadcast_in_dim3A_426, %broadcast_in_dim3A_486 in 0 : vector<1x1xf32>, vector<1x1xf32>, vector<1x1xf32>, vector<1x1xf32>, vector<1x1xf32>, vector<1x1xf32>, vector<1x1xf32>, vector<1x1xf32> -> vector<8x1xf32>
      %mul3A_487 = arith.constant 8 : i32
      %mul3A_488 = arith.muli %mul3A_487, %arg0 : i32
      %add3A_489 = arith.constant 0 : i32
      %add3A_490 = arith.addi %mul3A_488, %add3A_489 : i32
      %get3A_491 = arith.index_cast %add3A_490 : i32 to index
      %get3A_492 = memref.load %arg1[%get3A_491] : memref<104xi32, #tpu.memory_space<smem>>
      %jit3A_493 = arith.constant 128 : i32
      %div3A_494 = arith.divsi %get3A_492, %jit3A_493 : i32
      %sign3A_495 = arith.constant 0 : i32
      %sign3A_496 = arith.cmpi sgt, %get3A_492, %sign3A_495 : i32
      %sign3A_497 = arith.extui %sign3A_496 : i1 to i32
      %sign3A_498 = arith.constant 0 : i32
      %sign3A_499 = arith.cmpi slt, %get3A_492, %sign3A_498 : i32
      %sign3A_500 = arith.extui %sign3A_499 : i1 to i32
      %sign3A_501 = arith.subi %sign3A_497, %sign3A_500 : i32
      %sign3A_502 = arith.constant 0 : i32
      %sign3A_503 = arith.cmpi sgt, %jit3A_493, %sign3A_502 : i32
      %sign3A_504 = arith.extui %sign3A_503 : i1 to i32
      %sign3A_505 = arith.constant 0 : i32
      %sign3A_506 = arith.cmpi slt, %jit3A_493, %sign3A_505 : i32
      %sign3A_507 = arith.extui %sign3A_506 : i1 to i32
      %sign3A_508 = arith.subi %sign3A_504, %sign3A_507 : i32
      %ne3A_509 = arith.cmpi ne, %sign3A_501, %sign3A_508 : i32
      %rem3A_510 = arith.remsi %get3A_492, %jit3A_493 : i32
      %ne3A_511 = arith.constant 0 : i32
      %ne3A_512 = arith.cmpi ne, %rem3A_510, %ne3A_511 : i32
      %and3A_513 = arith.andi %ne3A_509, %ne3A_512 : i1
      %sub3A_514 = arith.constant 1 : i32
      %sub3A_515 = arith.subi %div3A_494, %sub3A_514 : i32
      %select_n3A_516 = arith.select %and3A_513, %sub3A_515, %div3A_494 : i32
      %mul3A_517 = arith.constant 128 : i32
      %mul3A_518 = arith.muli %select_n3A_516, %mul3A_517 : i32
      %multiple_of3A_519 = tpu.assume_multiple %mul3A_518, 128 : i32
      %get3A_520 = arith.constant 0 : index
      %get3A_521 = arith.index_cast %multiple_of3A_519 : i32 to index
      %get3A_522 = vector.load %arg3[%get3A_520, %get3A_521] : memref<8x32000xf32, #tpu.memory_space<vmem>>, vector<1x128xf32>
      %jit3A_523 = arith.constant 128 : i32
      %eq3A_524 = arith.constant 0 : i32
      %eq3A_525 = arith.cmpi eq, %jit3A_523, %eq3A_524 : i32
      %jit3A_526 = arith.constant 1 : i32
      %select_n3A_527 = arith.select %eq3A_525, %jit3A_526, %jit3A_523 : i32
      %rem3A_528 = arith.remsi %get3A_492, %select_n3A_527 : i32
      %ne3A_529 = arith.constant 0 : i32
      %ne3A_530 = arith.cmpi ne, %rem3A_528, %ne3A_529 : i32
      %lt3A_531 = arith.constant 0 : i32
      %lt3A_532 = arith.cmpi slt, %rem3A_528, %lt3A_531 : i32
      %lt3A_533 = arith.constant 0 : i32
      %lt3A_534 = arith.cmpi slt, %select_n3A_527, %lt3A_533 : i32
      %ne3A_535 = arith.xori %lt3A_532, %lt3A_534 : i1
      %and3A_536 = arith.andi %ne3A_535, %ne3A_530 : i1
      %add3A_537 = arith.addi %rem3A_528, %select_n3A_527 : i32
      %select_n3A_538 = arith.select %and3A_536, %add3A_537, %rem3A_528 : i32
      %eq3A_539 = vector.broadcast %select_n3A_538 : i32 to vector<1x128xi32>
      %eq3A_540 = arith.cmpi eq, %iota3A, %eq3A_539 : vector<1x128xi32>
      %jit3A_541 = arith.constant 0.000000e+00 : f32
      %broadcast_in_dim3A_542 = vector.broadcast %jit3A_541 : f32 to vector<1x128xf32>
      %select_n3A_543 = arith.select %eq3A_540, %get3A_522, %broadcast_in_dim3A_542 : vector<1x128xi1>, vector<1x128xf32>
      %reduce_sum3A_544 = arith.constant dense<0.000000e+00> : vector<1xf32>
      %reduce_sum3A_545 = vector.multi_reduction <add>, %select_n3A_543, %reduce_sum3A_544 [1] : vector<1x128xf32> to vector<1xf32>
      %broadcast_in_dim3A_546 = vector.shape_cast %reduce_sum3A_545 : vector<1xf32> to vector<1x1xf32>
      %mul3A_547 = arith.constant 8 : i32
      %mul3A_548 = arith.muli %mul3A_547, %arg0 : i32
      %add3A_549 = arith.constant 1 : i32
      %add3A_550 = arith.addi %mul3A_548, %add3A_549 : i32
      %get3A_551 = arith.index_cast %add3A_550 : i32 to index
      %get3A_552 = memref.load %arg1[%get3A_551] : memref<104xi32, #tpu.memory_space<smem>>
      %jit3A_553 = arith.constant 128 : i32
      %div3A_554 = arith.divsi %get3A_552, %jit3A_553 : i32
      %sign3A_555 = arith.constant 0 : i32
      %sign3A_556 = arith.cmpi sgt, %get3A_552, %sign3A_555 : i32
      %sign3A_557 = arith.extui %sign3A_556 : i1 to i32
      %sign3A_558 = arith.constant 0 : i32
      %sign3A_559 = arith.cmpi slt, %get3A_552, %sign3A_558 : i32
      %sign3A_560 = arith.extui %sign3A_559 : i1 to i32
      %sign3A_561 = arith.subi %sign3A_557, %sign3A_560 : i32
      %sign3A_562 = arith.constant 0 : i32
      %sign3A_563 = arith.cmpi sgt, %jit3A_553, %sign3A_562 : i32
      %sign3A_564 = arith.extui %sign3A_563 : i1 to i32
      %sign3A_565 = arith.constant 0 : i32
      %sign3A_566 = arith.cmpi slt, %jit3A_553, %sign3A_565 : i32
      %sign3A_567 = arith.extui %sign3A_566 : i1 to i32
      %sign3A_568 = arith.subi %sign3A_564, %sign3A_567 : i32
      %ne3A_569 = arith.cmpi ne, %sign3A_561, %sign3A_568 : i32
      %rem3A_570 = arith.remsi %get3A_552, %jit3A_553 : i32
      %ne3A_571 = arith.constant 0 : i32
      %ne3A_572 = arith.cmpi ne, %rem3A_570, %ne3A_571 : i32
      %and3A_573 = arith.andi %ne3A_569, %ne3A_572 : i1
      %sub3A_574 = arith.constant 1 : i32
      %sub3A_575 = arith.subi %div3A_554, %sub3A_574 : i32
      %select_n3A_576 = arith.select %and3A_573, %sub3A_575, %div3A_554 : i32
      %mul3A_577 = arith.constant 128 : i32
      %mul3A_578 = arith.muli %select_n3A_576, %mul3A_577 : i32
      %multiple_of3A_579 = tpu.assume_multiple %mul3A_578, 128 : i32
      %get3A_580 = arith.constant 1 : index
      %get3A_581 = arith.index_cast %multiple_of3A_579 : i32 to index
      %get3A_582 = vector.load %arg3[%get3A_580, %get3A_581] : memref<8x32000xf32, #tpu.memory_space<vmem>>, vector<1x128xf32>
      %jit3A_583 = arith.constant 128 : i32
      %eq3A_584 = arith.constant 0 : i32
      %eq3A_585 = arith.cmpi eq, %jit3A_583, %eq3A_584 : i32
      %jit3A_586 = arith.constant 1 : i32
      %select_n3A_587 = arith.select %eq3A_585, %jit3A_586, %jit3A_583 : i32
      %rem3A_588 = arith.remsi %get3A_552, %select_n3A_587 : i32
      %ne3A_589 = arith.constant 0 : i32
      %ne3A_590 = arith.cmpi ne, %rem3A_588, %ne3A_589 : i32
      %lt3A_591 = arith.constant 0 : i32
      %lt3A_592 = arith.cmpi slt, %rem3A_588, %lt3A_591 : i32
      %lt3A_593 = arith.constant 0 : i32
      %lt3A_594 = arith.cmpi slt, %select_n3A_587, %lt3A_593 : i32
      %ne3A_595 = arith.xori %lt3A_592, %lt3A_594 : i1
      %and3A_596 = arith.andi %ne3A_595, %ne3A_590 : i1
      %add3A_597 = arith.addi %rem3A_588, %select_n3A_587 : i32
      %select_n3A_598 = arith.select %and3A_596, %add3A_597, %rem3A_588 : i32
      %eq3A_599 = vector.broadcast %select_n3A_598 : i32 to vector<1x128xi32>
      %eq3A_600 = arith.cmpi eq, %iota3A, %eq3A_599 : vector<1x128xi32>
      %jit3A_601 = arith.constant 0.000000e+00 : f32
      %broadcast_in_dim3A_602 = vector.broadcast %jit3A_601 : f32 to vector<1x128xf32>
      %select_n3A_603 = arith.select %eq3A_600, %get3A_582, %broadcast_in_dim3A_602 : vector<1x128xi1>, vector<1x128xf32>
      %reduce_sum3A_604 = arith.constant dense<0.000000e+00> : vector<1xf32>
      %reduce_sum3A_605 = vector.multi_reduction <add>, %select_n3A_603, %reduce_sum3A_604 [1] : vector<1x128xf32> to vector<1xf32>
      %broadcast_in_dim3A_606 = vector.shape_cast %reduce_sum3A_605 : vector<1xf32> to vector<1x1xf32>
      %mul3A_607 = arith.constant 8 : i32
      %mul3A_608 = arith.muli %mul3A_607, %arg0 : i32
      %add3A_609 = arith.constant 2 : i32
      %add3A_610 = arith.addi %mul3A_608, %add3A_609 : i32
      %get3A_611 = arith.index_cast %add3A_610 : i32 to index
      %get3A_612 = memref.load %arg1[%get3A_611] : memref<104xi32, #tpu.memory_space<smem>>
      %jit3A_613 = arith.constant 128 : i32
      %div3A_614 = arith.divsi %get3A_612, %jit3A_613 : i32
      %sign3A_615 = arith.constant 0 : i32
      %sign3A_616 = arith.cmpi sgt, %get3A_612, %sign3A_615 : i32
      %sign3A_617 = arith.extui %sign3A_616 : i1 to i32
      %sign3A_618 = arith.constant 0 : i32
      %sign3A_619 = arith.cmpi slt, %get3A_612, %sign3A_618 : i32
      %sign3A_620 = arith.extui %sign3A_619 : i1 to i32
      %sign3A_621 = arith.subi %sign3A_617, %sign3A_620 : i32
      %sign3A_622 = arith.constant 0 : i32
      %sign3A_623 = arith.cmpi sgt, %jit3A_613, %sign3A_622 : i32
      %sign3A_624 = arith.extui %sign3A_623 : i1 to i32
      %sign3A_625 = arith.constant 0 : i32
      %sign3A_626 = arith.cmpi slt, %jit3A_613, %sign3A_625 : i32
      %sign3A_627 = arith.extui %sign3A_626 : i1 to i32
      %sign3A_628 = arith.subi %sign3A_624, %sign3A_627 : i32
      %ne3A_629 = arith.cmpi ne, %sign3A_621, %sign3A_628 : i32
      %rem3A_630 = arith.remsi %get3A_612, %jit3A_613 : i32
      %ne3A_631 = arith.constant 0 : i32
      %ne3A_632 = arith.cmpi ne, %rem3A_630, %ne3A_631 : i32
      %and3A_633 = arith.andi %ne3A_629, %ne3A_632 : i1
      %sub3A_634 = arith.constant 1 : i32
      %sub3A_635 = arith.subi %div3A_614, %sub3A_634 : i32
      %select_n3A_636 = arith.select %and3A_633, %sub3A_635, %div3A_614 : i32
      %mul3A_637 = arith.constant 128 : i32
      %mul3A_638 = arith.muli %select_n3A_636, %mul3A_637 : i32
      %multiple_of3A_639 = tpu.assume_multiple %mul3A_638, 128 : i32
      %get3A_640 = arith.constant 2 : index
      %get3A_641 = arith.index_cast %multiple_of3A_639 : i32 to index
      %get3A_642 = vector.load %arg3[%get3A_640, %get3A_641] : memref<8x32000xf32, #tpu.memory_space<vmem>>, vector<1x128xf32>
      %jit3A_643 = arith.constant 128 : i32
      %eq3A_644 = arith.constant 0 : i32
      %eq3A_645 = arith.cmpi eq, %jit3A_643, %eq3A_644 : i32
      %jit3A_646 = arith.constant 1 : i32
      %select_n3A_647 = arith.select %eq3A_645, %jit3A_646, %jit3A_643 : i32
      %rem3A_648 = arith.remsi %get3A_612, %select_n3A_647 : i32
      %ne3A_649 = arith.constant 0 : i32
      %ne3A_650 = arith.cmpi ne, %rem3A_648, %ne3A_649 : i32
      %lt3A_651 = arith.constant 0 : i32
      %lt3A_652 = arith.cmpi slt, %rem3A_648, %lt3A_651 : i32
      %lt3A_653 = arith.constant 0 : i32
      %lt3A_654 = arith.cmpi slt, %select_n3A_647, %lt3A_653 : i32
      %ne3A_655 = arith.xori %lt3A_652, %lt3A_654 : i1
      %and3A_656 = arith.andi %ne3A_655, %ne3A_650 : i1
      %add3A_657 = arith.addi %rem3A_648, %select_n3A_647 : i32
      %select_n3A_658 = arith.select %and3A_656, %add3A_657, %rem3A_648 : i32
      %eq3A_659 = vector.broadcast %select_n3A_658 : i32 to vector<1x128xi32>
      %eq3A_660 = arith.cmpi eq, %iota3A, %eq3A_659 : vector<1x128xi32>
      %jit3A_661 = arith.constant 0.000000e+00 : f32
      %broadcast_in_dim3A_662 = vector.broadcast %jit3A_661 : f32 to vector<1x128xf32>
      %select_n3A_663 = arith.select %eq3A_660, %get3A_642, %broadcast_in_dim3A_662 : vector<1x128xi1>, vector<1x128xf32>
      %reduce_sum3A_664 = arith.constant dense<0.000000e+00> : vector<1xf32>
      %reduce_sum3A_665 = vector.multi_reduction <add>, %select_n3A_663, %reduce_sum3A_664 [1] : vector<1x128xf32> to vector<1xf32>
      %broadcast_in_dim3A_666 = vector.shape_cast %reduce_sum3A_665 : vector<1xf32> to vector<1x1xf32>
      %mul3A_667 = arith.constant 8 : i32
      %mul3A_668 = arith.muli %mul3A_667, %arg0 : i32
      %add3A_669 = arith.constant 3 : i32
      %add3A_670 = arith.addi %mul3A_668, %add3A_669 : i32
      %get3A_671 = arith.index_cast %add3A_670 : i32 to index
      %get3A_672 = memref.load %arg1[%get3A_671] : memref<104xi32, #tpu.memory_space<smem>>
      %jit3A_673 = arith.constant 128 : i32
      %div3A_674 = arith.divsi %get3A_672, %jit3A_673 : i32
      %sign3A_675 = arith.constant 0 : i32
      %sign3A_676 = arith.cmpi sgt, %get3A_672, %sign3A_675 : i32
      %sign3A_677 = arith.extui %sign3A_676 : i1 to i32
      %sign3A_678 = arith.constant 0 : i32
      %sign3A_679 = arith.cmpi slt, %get3A_672, %sign3A_678 : i32
      %sign3A_680 = arith.extui %sign3A_679 : i1 to i32
      %sign3A_681 = arith.subi %sign3A_677, %sign3A_680 : i32
      %sign3A_682 = arith.constant 0 : i32
      %sign3A_683 = arith.cmpi sgt, %jit3A_673, %sign3A_682 : i32
      %sign3A_684 = arith.extui %sign3A_683 : i1 to i32
      %sign3A_685 = arith.constant 0 : i32
      %sign3A_686 = arith.cmpi slt, %jit3A_673, %sign3A_685 : i32
      %sign3A_687 = arith.extui %sign3A_686 : i1 to i32
      %sign3A_688 = arith.subi %sign3A_684, %sign3A_687 : i32
      %ne3A_689 = arith.cmpi ne, %sign3A_681, %sign3A_688 : i32
      %rem3A_690 = arith.remsi %get3A_672, %jit3A_673 : i32
      %ne3A_691 = arith.constant 0 : i32
      %ne3A_692 = arith.cmpi ne, %rem3A_690, %ne3A_691 : i32
      %and3A_693 = arith.andi %ne3A_689, %ne3A_692 : i1
      %sub3A_694 = arith.constant 1 : i32
      %sub3A_695 = arith.subi %div3A_674, %sub3A_694 : i32
      %select_n3A_696 = arith.select %and3A_693, %sub3A_695, %div3A_674 : i32
      %mul3A_697 = arith.constant 128 : i32
      %mul3A_698 = arith.muli %select_n3A_696, %mul3A_697 : i32
      %multiple_of3A_699 = tpu.assume_multiple %mul3A_698, 128 : i32
      %get3A_700 = arith.constant 3 : index
      %get3A_701 = arith.index_cast %multiple_of3A_699 : i32 to index
      %get3A_702 = vector.load %arg3[%get3A_700, %get3A_701] : memref<8x32000xf32, #tpu.memory_space<vmem>>, vector<1x128xf32>
      %jit3A_703 = arith.constant 128 : i32
      %eq3A_704 = arith.constant 0 : i32
      %eq3A_705 = arith.cmpi eq, %jit3A_703, %eq3A_704 : i32
      %jit3A_706 = arith.constant 1 : i32
      %select_n3A_707 = arith.select %eq3A_705, %jit3A_706, %jit3A_703 : i32
      %rem3A_708 = arith.remsi %get3A_672, %select_n3A_707 : i32
      %ne3A_709 = arith.constant 0 : i32
      %ne3A_710 = arith.cmpi ne, %rem3A_708, %ne3A_709 : i32
      %lt3A_711 = arith.constant 0 : i32
      %lt3A_712 = arith.cmpi slt, %rem3A_708, %lt3A_711 : i32
      %lt3A_713 = arith.constant 0 : i32
      %lt3A_714 = arith.cmpi slt, %select_n3A_707, %lt3A_713 : i32
      %ne3A_715 = arith.xori %lt3A_712, %lt3A_714 : i1
      %and3A_716 = arith.andi %ne3A_715, %ne3A_710 : i1
      %add3A_717 = arith.addi %rem3A_708, %select_n3A_707 : i32
      %select_n3A_718 = arith.select %and3A_716, %add3A_717, %rem3A_708 : i32
      %eq3A_719 = vector.broadcast %select_n3A_718 : i32 to vector<1x128xi32>
      %eq3A_720 = arith.cmpi eq, %iota3A, %eq3A_719 : vector<1x128xi32>
      %jit3A_721 = arith.constant 0.000000e+00 : f32
      %broadcast_in_dim3A_722 = vector.broadcast %jit3A_721 : f32 to vector<1x128xf32>
      %select_n3A_723 = arith.select %eq3A_720, %get3A_702, %broadcast_in_dim3A_722 : vector<1x128xi1>, vector<1x128xf32>
      %reduce_sum3A_724 = arith.constant dense<0.000000e+00> : vector<1xf32>
      %reduce_sum3A_725 = vector.multi_reduction <add>, %select_n3A_723, %reduce_sum3A_724 [1] : vector<1x128xf32> to vector<1xf32>
      %broadcast_in_dim3A_726 = vector.shape_cast %reduce_sum3A_725 : vector<1xf32> to vector<1x1xf32>
      %mul3A_727 = arith.constant 8 : i32
      %mul3A_728 = arith.muli %mul3A_727, %arg0 : i32
      %add3A_729 = arith.constant 4 : i32
      %add3A_730 = arith.addi %mul3A_728, %add3A_729 : i32
      %get3A_731 = arith.index_cast %add3A_730 : i32 to index
      %get3A_732 = memref.load %arg1[%get3A_731] : memref<104xi32, #tpu.memory_space<smem>>
      %jit3A_733 = arith.constant 128 : i32
      %div3A_734 = arith.divsi %get3A_732, %jit3A_733 : i32
      %sign3A_735 = arith.constant 0 : i32
      %sign3A_736 = arith.cmpi sgt, %get3A_732, %sign3A_735 : i32
      %sign3A_737 = arith.extui %sign3A_736 : i1 to i32
      %sign3A_738 = arith.constant 0 : i32
      %sign3A_739 = arith.cmpi slt, %get3A_732, %sign3A_738 : i32
      %sign3A_740 = arith.extui %sign3A_739 : i1 to i32
      %sign3A_741 = arith.subi %sign3A_737, %sign3A_740 : i32
      %sign3A_742 = arith.constant 0 : i32
      %sign3A_743 = arith.cmpi sgt, %jit3A_733, %sign3A_742 : i32
      %sign3A_744 = arith.extui %sign3A_743 : i1 to i32
      %sign3A_745 = arith.constant 0 : i32
      %sign3A_746 = arith.cmpi slt, %jit3A_733, %sign3A_745 : i32
      %sign3A_747 = arith.extui %sign3A_746 : i1 to i32
      %sign3A_748 = arith.subi %sign3A_744, %sign3A_747 : i32
      %ne3A_749 = arith.cmpi ne, %sign3A_741, %sign3A_748 : i32
      %rem3A_750 = arith.remsi %get3A_732, %jit3A_733 : i32
      %ne3A_751 = arith.constant 0 : i32
      %ne3A_752 = arith.cmpi ne, %rem3A_750, %ne3A_751 : i32
      %and3A_753 = arith.andi %ne3A_749, %ne3A_752 : i1
      %sub3A_754 = arith.constant 1 : i32
      %sub3A_755 = arith.subi %div3A_734, %sub3A_754 : i32
      %select_n3A_756 = arith.select %and3A_753, %sub3A_755, %div3A_734 : i32
      %mul3A_757 = arith.constant 128 : i32
      %mul3A_758 = arith.muli %select_n3A_756, %mul3A_757 : i32
      %multiple_of3A_759 = tpu.assume_multiple %mul3A_758, 128 : i32
      %get3A_760 = arith.constant 4 : index
      %get3A_761 = arith.index_cast %multiple_of3A_759 : i32 to index
      %get3A_762 = vector.load %arg3[%get3A_760, %get3A_761] : memref<8x32000xf32, #tpu.memory_space<vmem>>, vector<1x128xf32>
      %jit3A_763 = arith.constant 128 : i32
      %eq3A_764 = arith.constant 0 : i32
      %eq3A_765 = arith.cmpi eq, %jit3A_763, %eq3A_764 : i32
      %jit3A_766 = arith.constant 1 : i32
      %select_n3A_767 = arith.select %eq3A_765, %jit3A_766, %jit3A_763 : i32
      %rem3A_768 = arith.remsi %get3A_732, %select_n3A_767 : i32
      %ne3A_769 = arith.constant 0 : i32
      %ne3A_770 = arith.cmpi ne, %rem3A_768, %ne3A_769 : i32
      %lt3A_771 = arith.constant 0 : i32
      %lt3A_772 = arith.cmpi slt, %rem3A_768, %lt3A_771 : i32
      %lt3A_773 = arith.constant 0 : i32
      %lt3A_774 = arith.cmpi slt, %select_n3A_767, %lt3A_773 : i32
      %ne3A_775 = arith.xori %lt3A_772, %lt3A_774 : i1
      %and3A_776 = arith.andi %ne3A_775, %ne3A_770 : i1
      %add3A_777 = arith.addi %rem3A_768, %select_n3A_767 : i32
      %select_n3A_778 = arith.select %and3A_776, %add3A_777, %rem3A_768 : i32
      %eq3A_779 = vector.broadcast %select_n3A_778 : i32 to vector<1x128xi32>
      %eq3A_780 = arith.cmpi eq, %iota3A, %eq3A_779 : vector<1x128xi32>
      %jit3A_781 = arith.constant 0.000000e+00 : f32
      %broadcast_in_dim3A_782 = vector.broadcast %jit3A_781 : f32 to vector<1x128xf32>
      %select_n3A_783 = arith.select %eq3A_780, %get3A_762, %broadcast_in_dim3A_782 : vector<1x128xi1>, vector<1x128xf32>
      %reduce_sum3A_784 = arith.constant dense<0.000000e+00> : vector<1xf32>
      %reduce_sum3A_785 = vector.multi_reduction <add>, %select_n3A_783, %reduce_sum3A_784 [1] : vector<1x128xf32> to vector<1xf32>
      %broadcast_in_dim3A_786 = vector.shape_cast %reduce_sum3A_785 : vector<1xf32> to vector<1x1xf32>
      %mul3A_787 = arith.constant 8 : i32
      %mul3A_788 = arith.muli %mul3A_787, %arg0 : i32
      %add3A_789 = arith.constant 5 : i32
      %add3A_790 = arith.addi %mul3A_788, %add3A_789 : i32
      %get3A_791 = arith.index_cast %add3A_790 : i32 to index
      %get3A_792 = memref.load %arg1[%get3A_791] : memref<104xi32, #tpu.memory_space<smem>>
      %jit3A_793 = arith.constant 128 : i32
      %div3A_794 = arith.divsi %get3A_792, %jit3A_793 : i32
      %sign3A_795 = arith.constant 0 : i32
      %sign3A_796 = arith.cmpi sgt, %get3A_792, %sign3A_795 : i32
      %sign3A_797 = arith.extui %sign3A_796 : i1 to i32
      %sign3A_798 = arith.constant 0 : i32
      %sign3A_799 = arith.cmpi slt, %get3A_792, %sign3A_798 : i32
      %sign3A_800 = arith.extui %sign3A_799 : i1 to i32
      %sign3A_801 = arith.subi %sign3A_797, %sign3A_800 : i32
      %sign3A_802 = arith.constant 0 : i32
      %sign3A_803 = arith.cmpi sgt, %jit3A_793, %sign3A_802 : i32
      %sign3A_804 = arith.extui %sign3A_803 : i1 to i32
      %sign3A_805 = arith.constant 0 : i32
      %sign3A_806 = arith.cmpi slt, %jit3A_793, %sign3A_805 : i32
      %sign3A_807 = arith.extui %sign3A_806 : i1 to i32
      %sign3A_808 = arith.subi %sign3A_804, %sign3A_807 : i32
      %ne3A_809 = arith.cmpi ne, %sign3A_801, %sign3A_808 : i32
      %rem3A_810 = arith.remsi %get3A_792, %jit3A_793 : i32
      %ne3A_811 = arith.constant 0 : i32
      %ne3A_812 = arith.cmpi ne, %rem3A_810, %ne3A_811 : i32
      %and3A_813 = arith.andi %ne3A_809, %ne3A_812 : i1
      %sub3A_814 = arith.constant 1 : i32
      %sub3A_815 = arith.subi %div3A_794, %sub3A_814 : i32
      %select_n3A_816 = arith.select %and3A_813, %sub3A_815, %div3A_794 : i32
      %mul3A_817 = arith.constant 128 : i32
      %mul3A_818 = arith.muli %select_n3A_816, %mul3A_817 : i32
      %multiple_of3A_819 = tpu.assume_multiple %mul3A_818, 128 : i32
      %get3A_820 = arith.constant 5 : index
      %get3A_821 = arith.index_cast %multiple_of3A_819 : i32 to index
      %get3A_822 = vector.load %arg3[%get3A_820, %get3A_821] : memref<8x32000xf32, #tpu.memory_space<vmem>>, vector<1x128xf32>
      %jit3A_823 = arith.constant 128 : i32
      %eq3A_824 = arith.constant 0 : i32
      %eq3A_825 = arith.cmpi eq, %jit3A_823, %eq3A_824 : i32
      %jit3A_826 = arith.constant 1 : i32
      %select_n3A_827 = arith.select %eq3A_825, %jit3A_826, %jit3A_823 : i32
      %rem3A_828 = arith.remsi %get3A_792, %select_n3A_827 : i32
      %ne3A_829 = arith.constant 0 : i32
      %ne3A_830 = arith.cmpi ne, %rem3A_828, %ne3A_829 : i32
      %lt3A_831 = arith.constant 0 : i32
      %lt3A_832 = arith.cmpi slt, %rem3A_828, %lt3A_831 : i32
      %lt3A_833 = arith.constant 0 : i32
      %lt3A_834 = arith.cmpi slt, %select_n3A_827, %lt3A_833 : i32
      %ne3A_835 = arith.xori %lt3A_832, %lt3A_834 : i1
      %and3A_836 = arith.andi %ne3A_835, %ne3A_830 : i1
      %add3A_837 = arith.addi %rem3A_828, %select_n3A_827 : i32
      %select_n3A_838 = arith.select %and3A_836, %add3A_837, %rem3A_828 : i32
      %eq3A_839 = vector.broadcast %select_n3A_838 : i32 to vector<1x128xi32>
      %eq3A_840 = arith.cmpi eq, %iota3A, %eq3A_839 : vector<1x128xi32>
      %jit3A_841 = arith.constant 0.000000e+00 : f32
      %broadcast_in_dim3A_842 = vector.broadcast %jit3A_841 : f32 to vector<1x128xf32>
      %select_n3A_843 = arith.select %eq3A_840, %get3A_822, %broadcast_in_dim3A_842 : vector<1x128xi1>, vector<1x128xf32>
      %reduce_sum3A_844 = arith.constant dense<0.000000e+00> : vector<1xf32>
      %reduce_sum3A_845 = vector.multi_reduction <add>, %select_n3A_843, %reduce_sum3A_844 [1] : vector<1x128xf32> to vector<1xf32>
      %broadcast_in_dim3A_846 = vector.shape_cast %reduce_sum3A_845 : vector<1xf32> to vector<1x1xf32>
      %mul3A_847 = arith.constant 8 : i32
      %mul3A_848 = arith.muli %mul3A_847, %arg0 : i32
      %add3A_849 = arith.constant 6 : i32
      %add3A_850 = arith.addi %mul3A_848, %add3A_849 : i32
      %get3A_851 = arith.index_cast %add3A_850 : i32 to index
      %get3A_852 = memref.load %arg1[%get3A_851] : memref<104xi32, #tpu.memory_space<smem>>
      %jit3A_853 = arith.constant 128 : i32
      %div3A_854 = arith.divsi %get3A_852, %jit3A_853 : i32
      %sign3A_855 = arith.constant 0 : i32
      %sign3A_856 = arith.cmpi sgt, %get3A_852, %sign3A_855 : i32
      %sign3A_857 = arith.extui %sign3A_856 : i1 to i32
      %sign3A_858 = arith.constant 0 : i32
      %sign3A_859 = arith.cmpi slt, %get3A_852, %sign3A_858 : i32
      %sign3A_860 = arith.extui %sign3A_859 : i1 to i32
      %sign3A_861 = arith.subi %sign3A_857, %sign3A_860 : i32
      %sign3A_862 = arith.constant 0 : i32
      %sign3A_863 = arith.cmpi sgt, %jit3A_853, %sign3A_862 : i32
      %sign3A_864 = arith.extui %sign3A_863 : i1 to i32
      %sign3A_865 = arith.constant 0 : i32
      %sign3A_866 = arith.cmpi slt, %jit3A_853, %sign3A_865 : i32
      %sign3A_867 = arith.extui %sign3A_866 : i1 to i32
      %sign3A_868 = arith.subi %sign3A_864, %sign3A_867 : i32
      %ne3A_869 = arith.cmpi ne, %sign3A_861, %sign3A_868 : i32
      %rem3A_870 = arith.remsi %get3A_852, %jit3A_853 : i32
      %ne3A_871 = arith.constant 0 : i32
      %ne3A_872 = arith.cmpi ne, %rem3A_870, %ne3A_871 : i32
      %and3A_873 = arith.andi %ne3A_869, %ne3A_872 : i1
      %sub3A_874 = arith.constant 1 : i32
      %sub3A_875 = arith.subi %div3A_854, %sub3A_874 : i32
      %select_n3A_876 = arith.select %and3A_873, %sub3A_875, %div3A_854 : i32
      %mul3A_877 = arith.constant 128 : i32
      %mul3A_878 = arith.muli %select_n3A_876, %mul3A_877 : i32
      %multiple_of3A_879 = tpu.assume_multiple %mul3A_878, 128 : i32
      %get3A_880 = arith.constant 6 : index
      %get3A_881 = arith.index_cast %multiple_of3A_879 : i32 to index
      %get3A_882 = vector.load %arg3[%get3A_880, %get3A_881] : memref<8x32000xf32, #tpu.memory_space<vmem>>, vector<1x128xf32>
      %jit3A_883 = arith.constant 128 : i32
      %eq3A_884 = arith.constant 0 : i32
      %eq3A_885 = arith.cmpi eq, %jit3A_883, %eq3A_884 : i32
      %jit3A_886 = arith.constant 1 : i32
      %select_n3A_887 = arith.select %eq3A_885, %jit3A_886, %jit3A_883 : i32
      %rem3A_888 = arith.remsi %get3A_852, %select_n3A_887 : i32
      %ne3A_889 = arith.constant 0 : i32
      %ne3A_890 = arith.cmpi ne, %rem3A_888, %ne3A_889 : i32
      %lt3A_891 = arith.constant 0 : i32
      %lt3A_892 = arith.cmpi slt, %rem3A_888, %lt3A_891 : i32
      %lt3A_893 = arith.constant 0 : i32
      %lt3A_894 = arith.cmpi slt, %select_n3A_887, %lt3A_893 : i32
      %ne3A_895 = arith.xori %lt3A_892, %lt3A_894 : i1
      %and3A_896 = arith.andi %ne3A_895, %ne3A_890 : i1
      %add3A_897 = arith.addi %rem3A_888, %select_n3A_887 : i32
      %select_n3A_898 = arith.select %and3A_896, %add3A_897, %rem3A_888 : i32
      %eq3A_899 = vector.broadcast %select_n3A_898 : i32 to vector<1x128xi32>
      %eq3A_900 = arith.cmpi eq, %iota3A, %eq3A_899 : vector<1x128xi32>
      %jit3A_901 = arith.constant 0.000000e+00 : f32
      %broadcast_in_dim3A_902 = vector.broadcast %jit3A_901 : f32 to vector<1x128xf32>
      %select_n3A_903 = arith.select %eq3A_900, %get3A_882, %broadcast_in_dim3A_902 : vector<1x128xi1>, vector<1x128xf32>
      %reduce_sum3A_904 = arith.constant dense<0.000000e+00> : vector<1xf32>
      %reduce_sum3A_905 = vector.multi_reduction <add>, %select_n3A_903, %reduce_sum3A_904 [1] : vector<1x128xf32> to vector<1xf32>
      %broadcast_in_dim3A_906 = vector.shape_cast %reduce_sum3A_905 : vector<1xf32> to vector<1x1xf32>
      %mul3A_907 = arith.constant 8 : i32
      %mul3A_908 = arith.muli %mul3A_907, %arg0 : i32
      %add3A_909 = arith.constant 7 : i32
      %add3A_910 = arith.addi %mul3A_908, %add3A_909 : i32
      %get3A_911 = arith.index_cast %add3A_910 : i32 to index
      %get3A_912 = memref.load %arg1[%get3A_911] : memref<104xi32, #tpu.memory_space<smem>>
      %jit3A_913 = arith.constant 128 : i32
      %div3A_914 = arith.divsi %get3A_912, %jit3A_913 : i32
      %sign3A_915 = arith.constant 0 : i32
      %sign3A_916 = arith.cmpi sgt, %get3A_912, %sign3A_915 : i32
      %sign3A_917 = arith.extui %sign3A_916 : i1 to i32
      %sign3A_918 = arith.constant 0 : i32
      %sign3A_919 = arith.cmpi slt, %get3A_912, %sign3A_918 : i32
      %sign3A_920 = arith.extui %sign3A_919 : i1 to i32
      %sign3A_921 = arith.subi %sign3A_917, %sign3A_920 : i32
      %sign3A_922 = arith.constant 0 : i32
      %sign3A_923 = arith.cmpi sgt, %jit3A_913, %sign3A_922 : i32
      %sign3A_924 = arith.extui %sign3A_923 : i1 to i32
      %sign3A_925 = arith.constant 0 : i32
      %sign3A_926 = arith.cmpi slt, %jit3A_913, %sign3A_925 : i32
      %sign3A_927 = arith.extui %sign3A_926 : i1 to i32
      %sign3A_928 = arith.subi %sign3A_924, %sign3A_927 : i32
      %ne3A_929 = arith.cmpi ne, %sign3A_921, %sign3A_928 : i32
      %rem3A_930 = arith.remsi %get3A_912, %jit3A_913 : i32
      %ne3A_931 = arith.constant 0 : i32
      %ne3A_932 = arith.cmpi ne, %rem3A_930, %ne3A_931 : i32
      %and3A_933 = arith.andi %ne3A_929, %ne3A_932 : i1
      %sub3A_934 = arith.constant 1 : i32
      %sub3A_935 = arith.subi %div3A_914, %sub3A_934 : i32
      %select_n3A_936 = arith.select %and3A_933, %sub3A_935, %div3A_914 : i32
      %mul3A_937 = arith.constant 128 : i32
      %mul3A_938 = arith.muli %select_n3A_936, %mul3A_937 : i32
      %multiple_of3A_939 = tpu.assume_multiple %mul3A_938, 128 : i32
      %get3A_940 = arith.constant 7 : index
      %get3A_941 = arith.index_cast %multiple_of3A_939 : i32 to index
      %get3A_942 = vector.load %arg3[%get3A_940, %get3A_941] : memref<8x32000xf32, #tpu.memory_space<vmem>>, vector<1x128xf32>
      %jit3A_943 = arith.constant 128 : i32
      %eq3A_944 = arith.constant 0 : i32
      %eq3A_945 = arith.cmpi eq, %jit3A_943, %eq3A_944 : i32
      %jit3A_946 = arith.constant 1 : i32
      %select_n3A_947 = arith.select %eq3A_945, %jit3A_946, %jit3A_943 : i32
      %rem3A_948 = arith.remsi %get3A_912, %select_n3A_947 : i32
      %ne3A_949 = arith.constant 0 : i32
      %ne3A_950 = arith.cmpi ne, %rem3A_948, %ne3A_949 : i32
      %lt3A_951 = arith.constant 0 : i32
      %lt3A_952 = arith.cmpi slt, %rem3A_948, %lt3A_951 : i32
      %lt3A_953 = arith.constant 0 : i32
      %lt3A_954 = arith.cmpi slt, %select_n3A_947, %lt3A_953 : i32
      %ne3A_955 = arith.xori %lt3A_952, %lt3A_954 : i1
      %and3A_956 = arith.andi %ne3A_955, %ne3A_950 : i1
      %add3A_957 = arith.addi %rem3A_948, %select_n3A_947 : i32
      %select_n3A_958 = arith.select %and3A_956, %add3A_957, %rem3A_948 : i32
      %eq3A_959 = vector.broadcast %select_n3A_958 : i32 to vector<1x128xi32>
      %eq3A_960 = arith.cmpi eq, %iota3A, %eq3A_959 : vector<1x128xi32>
      %jit3A_961 = arith.constant 0.000000e+00 : f32
      %broadcast_in_dim3A_962 = vector.broadcast %jit3A_961 : f32 to vector<1x128xf32>
      %select_n3A_963 = arith.select %eq3A_960, %get3A_942, %broadcast_in_dim3A_962 : vector<1x128xi1>, vector<1x128xf32>
      %reduce_sum3A_964 = arith.constant dense<0.000000e+00> : vector<1xf32>
      %reduce_sum3A_965 = vector.multi_reduction <add>, %select_n3A_963, %reduce_sum3A_964 [1] : vector<1x128xf32> to vector<1xf32>
      %broadcast_in_dim3A_966 = vector.shape_cast %reduce_sum3A_965 : vector<1xf32> to vector<1x1xf32>
      %concatenate3A_967 = tpu.concatenate %broadcast_in_dim3A_546, %broadcast_in_dim3A_606, %broadcast_in_dim3A_666, %broadcast_in_dim3A_726, %broadcast_in_dim3A_786, %broadcast_in_dim3A_846, %broadcast_in_dim3A_906, %broadcast_in_dim3A_966 in 0 : vector<1x1xf32>, vector<1x1xf32>, vector<1x1xf32>, vector<1x1xf32>, vector<1x1xf32>, vector<1x1xf32>, vector<1x1xf32>, vector<1x1xf32> -> vector<8x1xf32>
      %exp3A_968 = math.exp %concatenate3A : vector<8x1xf32>
      %div3A_969 = arith.divf %exp3A_968, %broadcast_in_dim3A : vector<8x1xf32>
      %exp3A_970 = math.exp %concatenate3A_967 : vector<8x1xf32>
      %div3A_971 = arith.divf %exp3A_970, %broadcast_in_dim3A_18 : vector<8x1xf32>
      %add3A_972 = arith.constant 1.000000e-10 : f32
      %add3A_973 = vector.broadcast %add3A_972 : f32 to vector<8x1xf32>
      %add3A_974 = arith.addf %div3A_971, %add3A_973 : vector<8x1xf32>
      %mul3A_975 = arith.constant 6.000000e-01 : f32
      %mul3A_976 = vector.broadcast %mul3A_975 : f32 to vector<8x1xf32>
      %mul3A_977 = arith.mulf %mul3A_976, %add3A_974 : vector<8x1xf32>
      %gt3A = arith.cmpf ogt, %div3A_969, %mul3A_977 : vector<8x1xf32>
      %convert_element_type3A_978 = arith.extui %gt3A : vector<8x1xi1> to vector<8x1xi32>
      %swap3A = arith.constant 0 : index
      %swap3A_979 = arith.constant 0 : index
      %swap3A_980 = vector.load %arg5[%swap3A, %swap3A_979] : memref<8x2xi32, #tpu.memory_space<vmem>>, vector<8x1xi32>
      tpu.vector_store %arg5[%swap3A, %swap3A_979], %convert_element_type3A_978 {strides = array<i32>} : memref<8x2xi32, #tpu.memory_space<vmem>>, vector<8x1xi32>,
      %sub3A_981 = arith.subf %get3A_13, %get3A_10 : vector<8x32000xf32>
      %mul3A_982 = arith.constant 2.67488527 : f32
      %mul3A_983 = vector.broadcast %mul3A_982 : f32 to vector<8x32000xf32>
      %mul3A_984 = arith.mulf %mul3A_983, %sub3A_981 : vector<8x32000xf32>
      %add3A_985 = arith.addf %get3A_1, %mul3A_984 : vector<8x32000xf32>
      %argmax3A = tpu.reduce_index %add3A_985 {axis = 1 : i32, kind = #tpu.reduction_kind<arg_max>} : vector<8x32000xf32> -> vector<8xi32>
      %broadcast_in_dim3A_986 = vector.shape_cast %argmax3A : vector<8xi32> to vector<8x1xi32>
      %swap3A_987 = arith.constant 0 : index
      %swap3A_988 = arith.constant 1 : index
      %swap3A_989 = vector.load %arg5[%swap3A_987, %swap3A_988] : memref<8x2xi32, #tpu.memory_space<vmem>>, vector<8x1xi32>
      tpu.vector_store %arg5[%swap3A_987, %swap3A_988], %broadcast_in_dim3A_986 {strides = array<i32>} : memref<8x2xi32, #tpu.memory_space<vmem>>, vector<8x1xi32>,
    } else {
    }
    %ge3A = arith.constant 13 : i32
    %ge3A_4 = arith.cmpi sge, %arg0, %ge3A : i32
    %convert_element_type3A_5 = arith.extui %ge3A_4 : i1 to i32
    %cond3A_6 = arith.constant 0 : i32
    %cond3A_7 = arith.cmpi ne, %convert_element_type3A_5, %cond3A_6 : i32
    scf.if %cond3A_7 {
      %broadcast_in_dim3A = arith.constant 0 : i32
      %broadcast_in_dim3A_8 = vector.broadcast %broadcast_in_dim3A : i32 to vector<8x1xi32>
      %swap3A = arith.constant 0 : index
      %swap3A_9 = arith.constant 0 : index
      %swap3A_10 = vector.load %arg5[%swap3A, %swap3A_9] : memref<8x2xi32, #tpu.memory_space<vmem>>, vector<8x1xi32>
      tpu.vector_store %arg5[%swap3A, %swap3A_9], %broadcast_in_dim3A_8 {strides = array<i32>} : memref<8x2xi32, #tpu.memory_space<vmem>>, vector<8x1xi32>,
      %argmax3A = tpu.reduce_index %get3A_1 {axis = 1 : i32, kind = #tpu.reduction_kind<arg_max>} : vector<8x32000xf32> -> vector<8xi32>
      %broadcast_in_dim3A_11 = vector.shape_cast %argmax3A : vector<8xi32> to vector<8x1xi32>
      %swap3A_12 = arith.constant 0 : index
      %swap3A_13 = arith.constant 1 : index
      %swap3A_14 = vector.load %arg5[%swap3A_12, %swap3A_13] : memref<8x2xi32, #tpu.memory_space<vmem>>, vector<8x1xi32>
      tpu.vector_store %arg5[%swap3A_12, %swap3A_13], %broadcast_in_dim3A_11 {strides = array<i32>} : memref<8x2xi32, #tpu.memory_space<vmem>>, vector<8x1xi32>,
    } else {
    }
    return
  }
  func.func @transform_0(%arg0: i32, %arg1: memref<104xi32, #tpu.memory_space<smem>>) -> (i32, i32) {
    %c0_i32 = arith.constant 0 : i32
    %c0_i32_0 = arith.constant 0 : i32
    return %arg0, %c0_i32 : i32, i32
  }
  func.func @transform_1(%arg0: i32, %arg1: memref<104xi32, #tpu.memory_space<smem>>) -> (i32, i32) {
    %min3A = arith.constant 12 : i32
    %min3A_0 = arith.minsi %arg0, %min3A : i32
    %c0_i32 = arith.constant 0 : i32
    %c0_i32_1 = arith.constant 0 : i32
    return %min3A_0, %c0_i32 : i32, i32
  }
  func.func @transform_2(%arg0: i32, %arg1: memref<104xi32, #tpu.memory_space<smem>>) -> (i32, i32) {
    %min3A = arith.constant 12 : i32
    %min3A_0 = arith.minsi %arg0, %min3A : i32
    %c0_i32 = arith.constant 0 : i32
    %c0_i32_1 = arith.constant 0 : i32
    return %min3A_0, %c0_i32 : i32, i32
  }
  func.func @transform_3(%arg0: i32, %arg1: memref<104xi32, #tpu.memory_space<smem>>) -> (i32, i32) {
    %c0_i32 = arith.constant 0 : i32
    %c0_i32_0 = arith.constant 0 : i32
    return %arg0, %c0_i32 : i32, i32
  }
}

</mosaic_0001>

<sc_bundles>
// kernel: kernel.4.cloned.1.call-start
scs
__scs_entry_jumppad:
0x0: {  	(pc) =	sbr.rel $0x88, $3  }
0x1: {  	(tag) =	ssettag $0x0;
	lr =	simm.s32 $0x1  }
0x2: {  	[smem:$0x3F9D] =	sst lr;
	_ =	strace $0xD0000000  }
0x3: {  	_ = 	snop  }
0x4: {  	_ = 	snop  }
0x5: {  	_ = 	snop  }
0x6: {  	_ = 	snop  }
0x7: {  	_ = 	snop  }
__scs_overlays_trampoline_lowered:
0x8: {  	[smem:$0x3FAC] =	sst s0  }
0x9: {  	[smem:$0x3FAD] =	sst s1  }
0xa: {  	[smem:$0x3FAE] =	sst s2  }
0xb: {  	[smem:$0x3FAF] =	sst s3  }
0xc: {  	[smem:$0x3FB0] =	sst s4  }
0xd: {  	[smem:$0x3FB1] =	sst s5  }
0xe: {  	[smem:$0x3FB2] =	sst s6  }
0xf: {  	[smem:$0x3FB3] =	sst s7  }
0x10: {  	[smem:$0x3FB4] =	sst s8  }
0x11: {  	[smem:$0x3FB5] =	sst s9;
	s0 =	simm.s32 @!p0 $0x0  }
0x12: {  	s1 =	sld [smem:$0x3F9B];
	s0 =	simm.s32 @p0 $0x1  }
0x13: {  	[smem:$0x3FB6] =	sst s0;
	s0 =	simm.s32 @!p1 $0x0  }
0x14: {  	s2 =	sld [smem:$0x3F9A];
	s0 =	simm.s32 @p1 $0x1  }
0x15: {  	[smem:$0x3FB7] =	sst s0;
	s0 =	simm.s32 @!p2 $0x0  }
0x16: {  	s3 =	sld [smem:$0x3FDB];
	s0 =	simm.s32 @p2 $0x1  }
0x17: {  	s4 =	simm.s32 $0x1BF5;
	[smem:$0x3FB9] =	sst s0  }
0x18: {  	s0 =	sld [smem:$0x3F9C];
	_ =	swait.ge [sflag:s4], $0x0  }
0x19: {  	s7 =	sld [smem:$0x3F9D]  }
0x1a: {  	s8 =	sadd.s32 $0xFFFFE003, lr  }
0x1b: {  	s9 =	sadd.s32 $0xFFFFFEF7, lr;
	s5 =	simm.s32 $0xFFFFFFFF;
	p2 =	slt.u32 s8, $0xFFFFF086  }
0x1c: {  	p1 =	slt.u32 s9, $0xF7A;
	s5 =	simm.s32 @!p2 $0x0  }
0x1d: {  	s5 =	simm.s32 @p1 $0x1;
	p0 =	seq.s32 s7, s2  }
0x1e: {  	s7 =	smul.u32 @!p0 $0xF7A, s2;
	p2 =	seq.s32 @!p0 s5, $0x0  }
0x1f: {  	s9 =	smul.u32 $0xF7A, s1;
	s8 =	simm.s32 @!p0 $0x1BF5;
	p2 =	por !p2, p0  }
0x20: {  	[sflag:s8] =	ssyncset.s32 @!p0 $0xFFFFF086;
	s6 =	sadd.s32 @!p0 s3, s7;
	s7 =	simm.s32 @!p0 $0x108  }
0x21: {  	s3 =	sadd.s32 s3, s9;
	s6 =	sadd.s32 @!p0 $0x88, s6;
	s7 =	simm.s32 @p2 $0x1082  }
0x22: {  	[simem:s7], [sflag:s8] =	dma.local @!p0 [hbm:s6], $0xF7A  }
0x23: {  	s9 =	sor.u32 $0xD0000000, s2;
	s6 =	simm.s32 $0x108;
	_ =	swait.ge @!p0 [sflag:s8], $0x0  }
0x24: {  	s3 =	sadd.s32 $0x88, s3;
	s6 =	simm.s32 @!p1 $0x1082;
	[sflag:s4] =	ssyncset.s32 $0xFFFFF086  }
0x25: {  	[simem:s6], [sflag:s4] =	dma.local [hbm:s3], $0xF7A  }
0x26: {  	[smem:$0x3F9D] =	sst s1;
	(tag) =	ssettag s2;
	_ =	strace s9  }
0x27: {  	s1 =	sld [smem:$0x3FAD]  }
0x28: {  	s2 =	sld [smem:$0x3FAE]  }
0x29: {  	s4 =	sld [smem:$0x3FB0]  }
0x2a: {  	p0 =	seq.s32 s5, $0x0;
	s5 =	sld [smem:$0x3FB1]  }
0x2b: {  	s6 =	sld [smem:$0x3FB2]  }
0x2c: {  	s7 =	sld [smem:$0x3FB3]  }
0x2d: {  	s3 =	simm.s32 $0x108;
	s8 =	sld [smem:$0x3FB4]  }
0x2e: {  	s3 =	simm.s32 @!p0 $0x1082;
	s9 =	sld [smem:$0x3FB5]  }
0x2f: {  	lr =	sadd.s32 s0, s3;
	s0 =	sld [smem:$0x3FAC]  }
0x30: {  	s3 =	sld [smem:$0x3FAF]  }
0x31: {  	[smem:$0x3FB8] =	sst s10  }
0x32: {  	s10 =	sld [smem:$0x3FB6];
	_ =	sdelay $0x3  }
0x33: {  	p0 =	seq.s32 s10, $0x1;
	s10 =	sld [smem:$0x3FB8];
	_ =	sdelay $0x3  }
0x34: {  	[smem:$0x3FB8] =	sst s10  }
0x35: {  	s10 =	sld [smem:$0x3FB7];
	_ =	sdelay $0x3  }
0x36: {  	p1 =	seq.s32 s10, $0x1;
	s10 =	sld [smem:$0x3FB8];
	_ =	sdelay $0x3  }
0x37: {  	[smem:$0x3FB8] =	sst s10  }
0x38: {  	s10 =	sld [smem:$0x3FB9]  }
0x39: {  	_ = 	snop;
	(pc) =	sbr.ind lr, $3  }
0x3a: {  	_ = 	snop  }
0x3b: {  	_ = 	snop  }
0x3c: {  	p2 =	seq.s32 s10, $0x1;
	s10 =	sld [smem:$0x3FB8]  }
0x3d: {  	_ =	shalt  }
0x3e: {  	_ =	shalt  }
0x3f: {  	_ =	shalt  }
0x40: {  	_ =	shalt  }
0x41: {  	_ =	shalt  }
0x42: {  	_ =	shalt  }
0x43: {  	_ =	shalt  }
0x44: {  	_ =	shalt  }
0x45: {  	_ =	shalt  }
0x46: {  	_ =	shalt  }
0x47: {  	_ =	shalt  }
0x48: {  	_ =	shalt  }
0x49: {  	_ =	shalt  }
0x4a: {  	_ =	shalt  }
0x4b: {  	_ =	shalt  }
0x4c: {  	_ =	shalt  }
0x4d: {  	_ =	shalt  }
0x4e: {  	_ =	shalt  }
0x4f: {  	_ =	shalt  }
0x50: {  	_ =	shalt  }
0x51: {  	_ =	shalt  }
0x52: {  	_ =	shalt  }
0x53: {  	_ =	shalt  }
0x54: {  	_ =	shalt  }
0x55: {  	_ =	shalt  }
0x56: {  	_ =	shalt  }
0x57: {  	_ =	shalt  }
0x58: {  	_ =	shalt  }
0x59: {  	_ =	shalt  }
0x5a: {  	_ =	shalt  }
0x5b: {  	_ =	shalt  }
0x5c: {  	_ =	shalt  }
0x5d: {  	_ =	shalt  }
0x5e: {  	_ =	shalt  }
0x5f: {  	_ =	shalt  }
0x60: {  	_ =	shalt  }
0x61: {  	_ =	shalt  }
0x62: {  	_ =	shalt  }
0x63: {  	_ =	shalt  }
0x64: {  	_ =	shalt  }
0x65: {  	_ =	shalt  }
0x66: {  	_ =	shalt  }
0x67: {  	_ =	shalt  }
0x68: {  	_ =	shalt  }
0x69: {  	_ =	shalt  }
0x6a: {  	_ =	shalt  }
0x6b: {  	_ =	shalt  }
0x6c: {  	_ =	shalt  }
0x6d: {  	_ =	shalt  }
0x6e: {  	_ =	shalt  }
0x6f: {  	_ =	shalt  }
0x70: {  	_ =	shalt  }
0x71: {  	_ =	shalt  }
0x72: {  	_ =	shalt  }
0x73: {  	_ =	shalt  }
0x74: {  	_ =	shalt  }
0x75: {  	_ =	shalt  }
0x76: {  	_ =	shalt  }
0x77: {  	_ =	shalt  }
0x78: {  	_ =	shalt  }
0x79: {  	_ =	shalt  }
0x7a: {  	_ =	shalt  }
0x7b: {  	_ =	shalt  }
0x7c: {  	_ =	shalt  }
0x7d: {  	_ =	shalt  }
0x7e: {  	_ =	shalt  }
0x7f: {  	_ =	shalt  }
0x80: {  	_ =	shalt  }
0x81: {  	_ =	shalt  }
0x82: {  	_ =	shalt  }
0x83: {  	_ =	shalt  }
0x84: {  	_ =	shalt  }
0x85: {  	_ =	shalt  }
0x86: {  	_ =	shalt  }
0x87: {  	_ =	shalt  }
.Lfunc_end0:
.L_simem_size_0:
called_computation_lowered:
.L_overlay_start_0:
0x88: {  	s2 =	sld [smem:$0x3FD9]  }
0x89: {  	s3 =	sld [smem:$0x3FFE];
	_ =	sdelay $0x1  }
0x8a: {  	s1 =	srdreg.scid  }
0x8b: {  	s0 =	sand.u32 $0x1, s1  }
0x8c: {  	s14 =	sshll.u32 s0, $0xA;
	s2 =	sadd.s32 s3, s2  }
0x8d: {  	s2 =	sadd.s32 s2, s14  }
0x8e: {  	[smem:$0x3FC4] =	sst s2  }
0x8f: {  	_ = 	snop  }
0x90: {  	s2 =	sld [smem:$0x3FD0];
	_ =	sdelay $0x2  }
0x91: {  	s4 =	simm.s32 $0xA;
	s5 =	simm.s32 $0x10;
	s15 =	sld [smem:$0x3FC6]  }
0x92: {  	[smem:s5], [sflag:s4] =	dma.local [hbm:s2], $0x1  }
0x93: {  	_ =	swait.eq [sflag:s4], $0x1  }
0x94: {  	[sflag:s4] =	ssyncset.done $0x0  }
0x95: {  	s16 =	sld [smem:$0x10];
	[sflag:s4] =	ssyncadd.s32 $0xFFFFFFFF  }
0x96: {  	s17 =	sld [smem:$0x11];
	(tm) =	ssettm $0x1  }
0x97: {  	s18 =	sld [smem:$0x3FFB];
	_ =	sdelay $0x3  }
0x98: {  	_ =	strace s18  }
0x99: {  	s5 =	sld [smem:$0x3FFC];
	_ =	sdelay $0x3  }
0x9a: {  	_ =	strace s5  }
0x9b: {  	s5 =	sld [smem:$0x3FFD];
	_ =	sdelay $0x3  }
0x9c: {  	_ =	strace s5  }
0x9d: {  	_ =	strace $0x8FFFFFFF  }
0x9e: {  	s19 =	sld [smem:$0x3FDB];
	_ =	sdelay $0x1  }
0x9f: {  	s6 =	simm.s32 $_scs_section_size  }
0xa0: {  	s7 =	simm.s32 $_size__tile_overlayer_lowered;
	s8 =	simm.s32 $_tile_overlayer_lowered  }
0xa1: {  	s22 =	simm.s32 $0x1BFF;
	s21 =	sshll.u32 s8, $0x1;
	s5 =	sadd.s32 s6, s19  }
0xa2: {  	s9 =	simm.s32 $0x0;
	s20 =	sshll.u32 s7, $0x1;
	s7 =	sadd.s32 s21, s5  }
0xa3: {  	[timem:s9], [sflag:s22] =	dma.local [hbm:s7], s20  }
0xa4: {  	_ =	swait.ge [sflag:s22], s20  }
0xa5: {  	s6 =	ssub.s32 $0x0, s20;
	[sflag:s22] =	ssyncset.done $0x0  }
0xa6: {  	[sflag:s22] =	ssyncadd.s32 s6;
	_ =	sdelay $0x1  }
0xa7: {  	s23 =	simm.s32 $0x1B8B  }
0xa8: {  	_ =	swait.ge [sflag:s23], $0x1  }
0xa9: {  	[sflag:s23] =	ssyncset.done $0x0  }
0xaa: {  	s25 =	simm.s32 $0x1B8E;
	s24 =	sld [smem:$0x3FFE];
	[sflag:s23] =	ssyncadd.s32 $0xFFFFFFFF  }
0xab: {  	s26 =	simm.s32 $execute0_lowered;
	[smem:$0x3FD2] =	sst s25  }
0xac: {  	s7 =	sshll.u32 s26, $0x1;
	_ =	strace $0x80000046;
	[dreg:$0x1] =	wrdreg $0xFFFFFFFF  }
0xad: {  	s28 =	simm.s32 $_size_execute0_lowered;
	s5 =	sadd.s32 s5, s7;
	[dreg:$0x0] =	wrdreg $0x0  }
0xae: {  	s7 =	sshll.u32 s28, $0x1;
	[dreg:$0x2] =	wrdreg s5  }
0xaf: {  	[dreg:$0x3] =	wrdreg s7  }
0xb0: {  	[dreg:$0x4] =	wrdreg $0xC0  }
0xb1: {  	_ =	task [dreg:s9], $0x5FFFF  }
0xb2: {  	[dreg:$0x1] =	wrdreg $0xFFFFFFFF  }
0xb3: {  	[dreg:$0x0] =	wrdreg $0x60  }
0xb4: {  	[dreg:$0x2] =	wrdreg s24  }
0xb5: {  	[dreg:$0x3] =	wrdreg s15  }
0xb6: {  	[dreg:$0x4] =	wrdreg s16  }
0xb7: {  	[dreg:$0x5] =	wrdreg s17  }
0xb8: {  	[dreg:$0x6] =	wrdreg $0x9  }
0xb9: {  	_ =	task.clear_ibuf [dreg:s9], $0x7FFFF;
	_ =	strace $0x90000046  }
0xba: {  	s29 =	simm.s32 $0x9;
	_ =	strace $0x80000048  }
0xbb: {  	_ =	swait.ge [sflag:s29], $0x1  }
0xbc: {  	[sflag:s29] =	ssyncadd.s32 $0xFFFFFFFF  }
0xbd: {  	_ =	strace $0x90000048  }
0xbe: {  	_ =	sfence  }
0xbf: {  	s30 =	sld [smem:$0x0];
	_ =	sdelay $0x2  }
0xc0: {  	s31 =	sshll.u32 s1, $0xD;
	s1 =	sshrl.u32 s1, $0x2  }
0xc1: {  	s3 =	sand.u32 $0x4000, s31;
	s1 =	sadd.s32 s1, s30  }
0xc2: {  	s0 =	sor.u32 s3, s0;
	s1 =	sshll.u32 s1, $0x11  }
0xc3: {  	s0 =	sor.u32 s1, s0  }
0xc4: {  	s0 =	sadd.s32 $0x8F2B, s0  }
0xc5: {  	[sflag:s0] =	ssyncadd.remote.s32 $0x1  }
0xc6: {  	_ =	sfence.sel $0xFFFF  }
0xc7: {  	[dreg:$0x0] =	wrdreg $0xFFFFFFFF;
	(pc) =	sbr.abs _section_cstart, $3  }
0xc8: {  	[dreg:$0x1] =	wrdreg $0xFFFFFFFF  }
0xc9: {  	_ =	task.clear_ibuf [dreg:s9], $0x2FFFF;
	_ =	strace $0x9FFFFFFF  }
0xca: {  	(tm) =	ssettm $0x7FFFFFFF  }
0xcb: {  	_ =	shalt  }
tec
execute0_lowered:
.L_overlay_start_1:
0x0: {  	(tag) =	ssettag $0x1  }
0x1: {  	s5 =	rddreg [dreg:$0x0]  }
0x2: {  	s1 =	rddreg [dreg:$0x1]  }
0x3: {  	s2 =	rddreg [dreg:$0x2]  }
0x4: {  	s3 =	rddreg [dreg:$0x3];
	v17 =	vlaneseq.u32  }
0x5: {  	s0 =	rddreg [dreg:$0x4];
	s4 =	srdreg.scid;
	v1 =	vand.u32 $0x3, v17  }
0x6: {  	_ =	strace $0x80000047;
	s6 =	sand.u32 $0x1, s4;
	s4 =	stileid.u32;
	v0 =	vadd.s32 $0x5, v1  }
0x7: {  	s7 =	sor.u32 s4, s6;
	(xrf0) =	vadd.scan.msk.s32 $0xffff, v0  }
0x8: {  	p0 =	sne.s32 s7, $0x0  }
.Ltmp0:
0x9: {  	_ = 	snop;
	(pc) =	sbr.rel @p0 .LBB2_3-.Ltmp0, $2  }
0xa: {  	_ =	sdelay $0x2  }
0xb: {  	v10, _, _ =	vpop (xrf0)  }
0xc: {  	v11 =	vmul.u32 $0xFFFFFFFF, v1  }
0xd: {  	v19 =	vimm.s32 $0x7070605;
	v17 =	vmul.u32 $0x80, v17  }
0xe: {  	v19 =	vunpack.c.0.s8.s32 v19;
	v1 =	vadd.s32 $0x2, v11;
	v2 =	vadd.s32 $0xFFFFFFFB, v11  }
0xf: {  	v4 =	vadd.s32 $0x1, v11;
	v5 =	vadd.s32 v11, v10;
	v6 =	vadd.s32 $0xFFFFFFFF, v11  }
0x10: {  	v12 =	vadd.s32 $0xFFFFFFFE, v11;
	v13 =	vadd.s32 $0xFFFFFFFD, v11;
	v11 =	vadd.s32 $0xFFFFFFFC, v11  }
0x11: {  	v20 =	vadd.s32 $0x3401, v17;
	v21 =	vor.u32 $0x1, v17;
	v22 =	vor.u32 $0x2, v17  }
0x12: {  	v23 =	vor.u32 $0x3, v17;
	v24 =	vor.u32 $0x4, v17;
	v25 =	vor.u32 $0x5, v17  }
0x13: {  	v26 =	vor.u32 $0x6, v17;
	v27 =	vor.u32 $0x7, v17;
	v28 =	vor.u32 $0x8, v17  }
0x14: {  	v1 =	vadd.s32 v1, v10;
	v2 =	vadd.s32 v2, v10;
	v4 =	vadd.s32 v4, v10  }
0x15: {  	vm1 =	vlt.s32 v5, $0x67;
	v8 =	vadd.s32 v6, v10;
	v12 =	vadd.s32 v12, v10  }
0x16: {  	v13 =	vadd.s32 v13, v10;
	v14 =	vadd.s32 v11, v10;
	vm0 =	vlt.s32 v1, $0x67  }
0x17: {  	v5 =	vnsel vm1, $0x67, v5;
	vm1 =	vlt.s32 v13, $0x67;
	vm2 =	vlt.s32 v2, $0x67  }
0x18: {  	v1 =	vnsel vm0, $0x67, v1;
	vm0 =	vlt.s32 v4, $0x67;
	v7 =	vshll.u32 v5, $0x7  }
0x19: {  	v11 =	vnsel vm1, $0x67, v13;
	v4 =	vnsel vm0, $0x67, v4;
	vm0 =	vlt.s32 v8, $0x67  }
0x1a: {  	vm1 =	vcmask $0xF08;
	v8 =	vnsel vm0, $0x67, v8;
	vm0 =	vlt.s32 v12, $0x67  }
0x1b: {  	v16 =	vnsel vm2, $0x67, v2;
	v10 =	vnsel vm0, $0x67, v12;
	vm0 =	vlt.s32 v14, $0x67  }
0x1c: {  	vm2 =	vcmask $0xF04;
	v14 =	vnsel vm0, $0x67, v14;
	vm0 =	vcmask $0x1F18  }
0x1d: {  	v3 =	vshll.u32 v1, $0x7;
	vm0 =	vmor vm1, vm0;
	vm1 =	vcmask $0x2F28  }
0x1e: {  	v13 =	vshll.u32 v11, $0x7;
	vm0 =	vmor vm0, vm1;
	vm1 =	vcmask $0x3F38  }
0x1f: {  	v18 =	vshll.u32 v16, $0x7;
	vm0 =	vmor vm0, vm1;
	vm1 =	vcmask $0x1F14  }
0x20: {  	s6 =	ssub.s32 $0x2, s6;
	s5 =	sadd.s32 $0xC00, s5;
	s8 =	simm.s32 $0x3C00;
	v6 =	vshll.u32 v4, $0x7;
	vm1 =	vmor vm2, vm1;
	vm2 =	vcmask $0x2F24  }
0x21: {  	s9 =	simm.s32 $0x1;
	s10 =	simm.s32 $0x3C80;
	s7 =	sshrl.u32 s6, $0x1;
	v9 =	vshll.u32 v8, $0x7;
	vm1 =	vmor vm1, vm2;
	vm2 =	vcmask $0x3F34  }
0x22: {  	s11 =	simm.s32 $0x4480;
	s6 =	ssub.s32 s6, s7;
	s7 =	simm.s32 $0x0;
	v12 =	vshll.u32 v10, $0x7;
	v15 =	vshll.u32 v14, $0x7;
	vm1 =	vmor vm1, vm2  }
.LBB2_2:
0x23: {  	[tilespmem:s7], [sflag:$0x1] =	stream.linear.gather [hbm4b:s5+s7], $0x3C00, $0x38;
	[tilespmem:$0x4500] =	vst v63  }
0x24: {  	_ = 	snop  }
0x25: {  	[tilespmem:s8], [sflag:$0x1] =	stream.linear.gather [hbm4b:s1+s7], $0x80, $0x38;
	[tilespmem:$0x4500] =	vst v63  }
0x26: {  	_ =	swait.ge [sflag:s9], $0x3C00  }
0x27: {  	[sflag:s9] =	ssyncset.done $0x0  }
0x28: {  	[sflag:s9] =	ssyncadd.s32 $0xFFFFC400  }
0x29: {  	_ =	swait.ge [sflag:s9], $0x80  }
0x2a: {  	[sflag:s9] =	ssyncset.done $0x0  }
0x2b: {  	[sflag:s9] =	ssyncadd.s32 $0xFFFFFF80  }
0x2c: {  	v29 =	vld.idx.msk [tilespmem:v3+s7+$0x0], $0xffff  }
0x2d: {  	v30 =	vld.idx.msk [tilespmem:v6+s7+$0x0], $0xffff  }
0x2e: {  	v31 =	vld.idx.msk [tilespmem:v7+s7+$0x0], $0xffff;
	_ =	sdelay $0x1  }
0x2f: {  	v32 =	vld.idx.msk [tilespmem:v9+s7+$0x0], $0xffff  }
0x30: {  	v33 =	vld.idx.msk [tilespmem:v12+s7+$0x0], $0xffff  }
0x31: {  	vm2 =	veq.s32 v29, $0x0;
	vm3 =	veq.s32 v30, $0x0;
	v29 =	vld.idx.msk [tilespmem:v13+s7+$0x0], $0xffff  }
0x32: {  	v30 =	vsel vm2, v19, v0;
	vm2 =	vmand vm3, vm0;
	vm3 =	veq.s32 v31, $0x0;
	v31 =	vld.idx.msk [tilespmem:v15+s7+$0x0], $0xffff  }
0x33: {  	v34 =	vld.idx.msk [tilespmem:v18+s7+$0x0], $0xffff;
	v30 =	vsel vm2, $0x6, v30;
	vm2 =	vmand vm3, vm1  }
0x34: {  	vm3 =	veq.s32 v32, $0x0;
	v30 =	vsel vm2, $0x5, v30  }
0x35: {  	vm2 =	veq.s32 v33, $0x0;
	v30 =	vsel vm3, $0x4, v30  }
0x36: {  	v30 =	vsel vm2, $0x3, v30;
	vm2 =	veq.s32 v29, $0x0  }
0x37: {  	v29 =	vsel vm2, $0x2, v30;
	vm2 =	veq.s32 v31, $0x0  }
0x38: {  	vm3 =	vne.s32 v34, $0x0;
	v29 =	vsel vm2, $0x1, v29  }
0x39: {  	v29 =	vnsel vm3, $0x0, v29  }
0x3a: {  	v30 =	vadd.s32 v2, v29  }
0x3b: {  	vm4 =	vlt.s32 v30, $0x67  }
0x3c: {  	v30 =	vnsel vm4, $0x67, v30  }
0x3d: {  	v30 =	vshll.u32 v30, $0x7  }
0x3e: {  	v30 =	vor.u32 $0x1, v30;
	_ =	sdelay $0x3  }
0x3f: {  	v31 =	vld.idx.msk [tilespmem:v20+s7+$0x0], $0xffff  }
0x40: {  	v30 =	vld.idx.msk [tilespmem:v30+s7+$0x0], $0xffff;
	[tilespmem:$0x4480] =	vst v29  }
0x41: {  	v63 =	vld.idx.msk [tilespmem:v16+s8+$0x0], $0xffff;
	_ =	sdelay $0x4  }
0x42: {  	v32 =	vsel vm3, v63, v30  }
0x43: {  	[tilespmem:v17+s10+$0x0] =	vst.idx.msk $0xffff, v32  }
0x44: {  	v32 =	vld.idx.msk [tilespmem:v14+s8+$0x0], $0xffff;
	_ =	sdelay $0x3  }
0x45: {  	vm15 =	veq.s32 v29, v0;
	vm5 =	vgt.u32 v29, $0x1  }
0x46: {  	vm2 =	vmand vm3, vm2;
	v31 =	vsel vm15, v31, v30;
	v32 =	vnsel vm5, $0xFFFFFFFF, v32  }
0x47: {  	v32 =	vsel vm2, v31, v32  }
0x48: {  	[tilespmem:v21+s10+$0x0] =	vst.idx.msk $0xffff, v32  }
0x49: {  	v32 =	vld.idx.msk [tilespmem:v11+s8+$0x0], $0xffff;
	_ =	sdelay $0x3  }
0x4a: {  	vm2 =	vgt.u32 v29, $0x2  }
0x4b: {  	v32 =	vnsel vm2, $0xFFFFFFFF, v32;
	vm2 =	veq.s32 v29, $0x2  }
0x4c: {  	v32 =	vsel vm2, v30, v32  }
0x4d: {  	[tilespmem:v22+s10+$0x0] =	vst.idx.msk $0xffff, v32  }
0x4e: {  	v32 =	vld.idx.msk [tilespmem:v10+s8+$0x0], $0xffff;
	_ =	sdelay $0x3  }
0x4f: {  	vm2 =	vgt.u32 v29, $0x3  }
0x50: {  	v32 =	vnsel vm2, $0xFFFFFFFF, v32;
	vm2 =	veq.s32 v29, $0x3  }
0x51: {  	v32 =	vsel vm2, v30, v32  }
0x52: {  	[tilespmem:v23+s10+$0x0] =	vst.idx.msk $0xffff, v32  }
0x53: {  	v32 =	vld.idx.msk [tilespmem:v8+s8+$0x0], $0xffff;
	_ =	sdelay $0x3  }
0x54: {  	vm2 =	vgt.u32 v29, $0x4  }
0x55: {  	v32 =	vnsel vm2, $0xFFFFFFFF, v32;
	vm2 =	veq.s32 v29, $0x4  }
0x56: {  	v30 =	vsel vm2, v30, v32  }
0x57: {  	[tilespmem:v24+s10+$0x0] =	vst.idx.msk $0xffff, v30  }
0x58: {  	v30 =	vld.idx.msk [tilespmem:v5+s8+$0x0], $0xffff;
	_ =	sdelay $0x3  }
0x59: {  	vm2 =	vgt.u32 v29, $0x5  }
0x5a: {  	v30 =	vnsel vm2, $0xFFFFFFFF, v30;
	vm2 =	veq.s32 v29, $0x5  }
0x5b: {  	v30 =	vsel vm2, v31, v30  }
0x5c: {  	[tilespmem:v25+s10+$0x0] =	vst.idx.msk $0xffff, v30  }
0x5d: {  	v30 =	vld.idx.msk [tilespmem:v4+s8+$0x0], $0xffff;
	_ =	sdelay $0x3  }
0x5e: {  	vm2 =	vgt.u32 v29, $0x6  }
0x5f: {  	v30 =	vnsel vm2, $0xFFFFFFFF, v30;
	vm2 =	veq.s32 v29, $0x6  }
0x60: {  	v30 =	vsel vm2, v31, v30  }
0x61: {  	[tilespmem:v26+s10+$0x0] =	vst.idx.msk $0xffff, v30  }
0x62: {  	v30 =	vld.idx.msk [tilespmem:v1+s8+$0x0], $0xffff;
	_ =	sdelay $0x3  }
0x63: {  	vm2 =	vgt.u32 v29, $0x7  }
0x64: {  	v30 =	vnsel vm2, $0xFFFFFFFF, v30;
	vm2 =	veq.s32 v29, $0x7  }
0x65: {  	v30 =	vsel vm2, v31, v30;
	vm2 =	veq.s32 v29, $0x8  }
0x66: {  	[tilespmem:v27+s10+$0x0] =	vst.idx.msk $0xffff, v30;
	v29 =	vnsel vm2, $0xFFFFFFFF, v31  }
0x67: {  	[tilespmem:v28+s10+$0x0] =	vst.idx.msk $0xffff, v29  }
0x68: {  	[hbm4b:s2+s7] =	stream.linear.scatter [tilespmem:s10], [sflag:$0x1], $0x800, $0x38;
	[tilespmem:$0x4500] =	vst v63  }
0x69: {  	_ = 	snop  }
0x6a: {  	[hbm4b:s3+s7] =	stream.linear.scatter [tilespmem:s11], [sflag:$0x1], $0x80, $0x38;
	[tilespmem:$0x4500] =	vst v63  }
0x6b: {  	p0 =	sne.s32 s6, $0x1;
	_ =	swait.ge [sflag:s9], $0x800  }
.Ltmp1:
0x6c: {  	[sflag:s9] =	ssyncset.done $0x0;
	(pc) =	sbr.rel @p0 .LBB2_2-.Ltmp1, $4  }
0x6d: {  	[sflag:s9] =	ssyncadd.s32 $0xFFFFF800  }
0x6e: {  	_ =	swait.ge [sflag:s9], $0x80  }
0x6f: {  	[sflag:s9] =	ssyncset.done $0x0  }
0x70: {  	s6 =	sadd.s32 $0xFFFFFFFF, s6;
	[sflag:s9] =	ssyncadd.s32 $0xFFFFFF80  }
.LBB2_3:
0x71: {  	_ =	sfence.sel $0x180000  }
0x72: {  	[bflag:$0x0] =	sbarrier.arrive $0xFFFF  }
0x73: {  	p0 =	sne.s32 s4, $0x0;
	_ =	strace $0x90000047  }
0x74: {  	s0 =	sadd.s32 @!p0 $0x100000, s0;
	[bflag:$0x2] =	sbarrier.arrive $0xFFFF  }
0x75: {  	[sflag:s0] =	ssyncadd.tile.s32 @!p0 $0x1;
	_ =	shalt  }
.Lfunc_end2:
_tile_overlayer_lowered:
.L_overlay_start_2:
0x76: {  	(tag) =	ssettag $0x2  }
0x77: {  	s0 =	rddreg [dreg:$0x0];
	s2 =	stileid.u32  }
0x78: {  	s1 =	rddreg [dreg:$0x1];
	p0 =	sne.s32 s2, $0x0  }
0x79: {  	s3 =	rddreg [dreg:$0x2];
	[bflag:$0x3] =	sbarrier.arrive $0xFFFF;
	s2 =	simm.s32 @!p0 $0x1C02  }
0x7a: {  	[timem:s3], [sflag:s2] =	dma.local @!p0 [hbm:s0], s1  }
0x7b: {  	s0 =	simm.s32 @!p0 $0x2  }
0x7c: {  	_ =	swait.ge @!p0 [sflag:s0], s1  }
0x7d: {  	s1 =	ssub.s32 @!p0 $0x0, s1;
	[sflag:s0] =	ssyncset.done @!p0 $0x0  }
0x7e: {  	[sflag:s0] =	ssyncadd.s32 @!p0 s1  }
0x7f: {  	[bflag:$0x3] =	sbarrier.arrive $0xFFFF  }
0x80: {  	_ =	shalt  }

</sc_bundles>
